<compile_context>
chip_gen: v7x
topology: tpu7x:2x2x1
jax: 0.10.2.dev20260603
libtpu: 0.0.44.dev20260713+nightly
codegen_flags: <defaults>
</compile_context>

<pallas_src>
import dataclasses
import functools

import jax
import jax.numpy as jnp
from jax import lax
from jax.experimental import pallas as pl
from jax.experimental.pallas import tpu as pltpu
from jax.experimental.pallas import tpu_sc as plsc

_B, _H, _W, _C = 4, 112, 112, 192
_HW = _H * _W
_S = (2 * _H) * (2 * _W)
_NCH = _B * _C
_NW = 32
_CPW = _NCH // _NW


def _compiler_params():
    cp = pltpu.CompilerParams()
    fields = pltpu.CompilerParams.__dataclass_fields__
    if "needs_layout_passes" in fields:
        cp = dataclasses.replace(cp, needs_layout_passes=False)
    if "use_tc_tiling_on_sc" in fields:
        cp = dataclasses.replace(cp, use_tc_tiling_on_sc=True)
    return cp


def _sc_unpool(upd_t, msk_t):
    mesh = plsc.VectorSubcoreMesh(core_axis_name="c", subcore_axis_name="s")

    @functools.partial(
        pl.kernel,
        out_type=jax.ShapeDtypeStruct((_B, _C, _S), jnp.float32),
        mesh=mesh,
        compiler_params=_compiler_params(),
        scratch_types=[
            pltpu.VMEM((_HW,), jnp.float32),
            pltpu.VMEM((_HW,), jnp.int32),
            pltpu.VMEM((_S,), jnp.float32),
            pltpu.VMEM((_S,), jnp.float32),
            pltpu.SemaphoreType.DMA,
            pltpu.SemaphoreType.DMA,
            pltpu.SemaphoreType.DMA,
        ],
    )
    def k(upd_hbm, msk_hbm, out_hbm, u_v, m_v, acc_a, acc_b,
          sem_in, sem_oa, sem_ob):
        cid = lax.axis_index("c")
        sid = lax.axis_index("s")
        wid = sid * 2 + cid
        bi = lax.shift_right_logical(wid, 3)
        base = lax.bitwise_and(wid, 7) * _CPW
        third = jnp.float32(1.0 / 3.0)
        zvec = jnp.zeros((16,), jnp.float32)

        def start_in(ci):
            pltpu.make_async_copy(upd_hbm.at[bi, ci], u_v, sem_in).start()
            pltpu.make_async_copy(msk_hbm.at[bi, ci], m_v, sem_in).start()

        def wait_in(ci):
            pltpu.make_async_copy(upd_hbm.at[bi, ci], u_v, sem_in).wait()
            pltpu.make_async_copy(msk_hbm.at[bi, ci], m_v, sem_in).wait()

        def zero(acc):
            @pl.loop(0, _S, step=64)
            def _(i):
                acc[pl.ds(i, 16)] = zvec
                acc[pl.ds(i + 16, 16)] = zvec
                acc[pl.ds(i + 32, 16)] = zvec
                acc[pl.ds(i + 48, 16)] = zvec

        def scatter(acc):
            @pl.loop(0, _HW, step=64)
            def _(i):
                for o in range(0, 64, 16):
                    m = m_v[pl.ds(i + o, 16)]
                    u = u_v[pl.ds(i + o, 16)]
                    p = (m.astype(jnp.float32) * third).astype(jnp.int32)
                    plsc.addupdate_scatter(acc, [p], u)

        start_in(base)

        @pl.loop(0, _CPW // 2)
        def _(t):
            ca = base + 2 * t
            cb = ca + 1

            @pl.when(t > 0)
            def _():
                pltpu.make_async_copy(acc_a, out_hbm.at[bi, ca - 2], sem_oa).wait()

            zero(acc_a)
            wait_in(ca)
            scatter(acc_a)
            start_in(cb)
            pltpu.make_async_copy(acc_a, out_hbm.at[bi, ca], sem_oa).start()

            @pl.when(t > 0)
            def _():
                pltpu.make_async_copy(acc_b, out_hbm.at[bi, cb - 2], sem_ob).wait()

            zero(acc_b)
            wait_in(cb)
            scatter(acc_b)

            @pl.when(t < _CPW // 2 - 1)
            def _():
                start_in(cb + 1)

            pltpu.make_async_copy(acc_b, out_hbm.at[bi, cb], sem_ob).start()

        pltpu.make_async_copy(acc_a, out_hbm.at[bi, base + _CPW - 2], sem_oa).wait()
        pltpu.make_async_copy(acc_b, out_hbm.at[bi, base + _CPW - 1], sem_ob).wait()

    return k(upd_t, msk_t)


def kernel(updates, mask):
    m32 = mask.astype(jnp.int32) >> 6
    upd_t = updates.reshape(_B, _HW, _C).transpose(0, 2, 1)
    msk_t = m32.reshape(_B, _HW, _C).transpose(0, 2, 1)
    out_t = _sc_unpool(upd_t, msk_t)
    return out_t.transpose(0, 2, 1).reshape(_B, 2 * _H, 2 * _W, _C)

# --- scband reference (transcript-rebuilt; emitter-appended) ---
"""Pipeline reference for scband-max-unpooling2-d-53214644797867 (READ-ONLY COPY).

The authoritative reference and input builder live on the scoring server;
editing this copy changes nothing except your own understanding.
"""

import jax, jax.numpy as jnp
import numpy as np


def setup_inputs(seed: int = 0) -> dict:
    key = jax.random.key(seed)
    k1, k2 = jax.random.split(key)
    B, H, W, C = 4, 112, 112, 192
    Hout, Wout = H * 2, W * 2
    updates = jax.random.normal(k1, (B, H, W, C), dtype=jnp.float32)
    # mask emulates argmax flat indices into the unpooled output of shape
    # [B, Hout, Wout, C], flattened over (Hout, Wout, C) per TF max_pool_with_argmax
    mask = jax.random.randint(k2, (B, H, W, C), 0, Hout * Wout * C, dtype=jnp.int64)
    return {"updates": updates, "mask": mask}


def reference(updates, mask):
    # Faithful port of keras MaxUnpooling2D.call with size=(2, 2)
    mask = mask.astype(jnp.int32)
    B, H, W, C = updates.shape
    Hout, Wout = H * 2, W * 2
    output_shape = (B, Hout, Wout, C)
    one_like_mask = jnp.ones_like(mask, dtype=jnp.int32)
    batch_range = jnp.arange(B, dtype=jnp.int32).reshape(B, 1, 1, 1)
    b = one_like_mask * batch_range
    y = mask // (Wout * C)
    x = (mask // C) % Wout
    feature_range = jnp.arange(C, dtype=jnp.int32)
    f = one_like_mask * feature_range
    values = updates.reshape(-1)
    # tf.scatter_nd accumulates (adds) duplicate indices into a zero tensor
    ret = jnp.zeros(output_shape, dtype=updates.dtype).at[
        b.reshape(-1), y.reshape(-1), x.reshape(-1), f.reshape(-1)
    ].add(values)
    return ret

if __name__ == "__main__":
    import jax
    _d = setup_inputs()
    print(jax.jit(kernel)(*tuple(_d.values())))

</pallas_src>

<mosaic_0001>
#map = affine_map<(d0, d1) -> (0, 0, 0)>
module attributes {stable_mosaic.version = 14 : i64} {
  func.func @k(%arg0: i32, %arg1: i32, %arg2: memref<4x192x12544xf32, #tpu.memory_space<hbm>>, %arg3: memref<4x192x12544xi32, #tpu.memory_space<hbm>>, %arg4: memref<4x192x50176xf32, #tpu.memory_space<hbm>>, %arg5: memref<12544xf32, #tpu.memory_space<vmem>>, %arg6: memref<12544xi32, #tpu.memory_space<vmem>>, %arg7: memref<50176xf32, #tpu.memory_space<vmem>>, %arg8: memref<50176xf32, #tpu.memory_space<vmem>>, %arg9: memref<!tpu.dma_semaphore, #tpu.memory_space<semaphore_mem>>, %arg10: memref<!tpu.dma_semaphore, #tpu.memory_space<semaphore_mem>>, %arg11: memref<!tpu.dma_semaphore, #tpu.memory_space<semaphore_mem>>) attributes {dimension_semantics = [#tpu.dimension_semantics<core_parallel>, #tpu.dimension_semantics<subcore_parallel>], iteration_bounds = array<i64: 2, 16>, scalar_prefetch = 0 : i64, scratch_operands = 7 : i64, tpu.core_type = #tpu.core_type<sc_vector_subcore>, window_params = [{transform_indices = #map}, {transform_indices = #map}, {transform_indices = #map}]} {
    %mul3A = arith.constant 2 : i32
    %mul3A_0 = arith.muli %arg1, %mul3A : i32
    %add3A = arith.addi %mul3A_0, %arg0 : i32
    %shift_right_logical3A = arith.constant 3 : i32
    %shift_right_logical3A_1 = arith.shrui %add3A, %shift_right_logical3A : i32
    %and3A = arith.constant 7 : i32
    %and3A_2 = arith.andi %add3A, %and3A : i32
    %mul3A_3 = arith.constant 24 : i32
    %mul3A_4 = arith.muli %and3A_2, %mul3A_3 : i32
    %broadcast_in_dim3A = arith.constant 0.000000e+00 : f32
    %broadcast_in_dim3A_5 = vector.broadcast %broadcast_in_dim3A : f32 to vector<16xf32>
    %dma_start3A = arith.constant 0 : i32
    %dma_start3A_6 = tpu.memref_slice %arg2[%shift_right_logical3A_1, %mul3A_4, %dma_start3A] : memref<4x192x12544xf32, #tpu.memory_space<hbm>> -> memref<1x1x12544xf32, #tpu.memory_space<hbm>>
    %dma_start3A_7 = tpu.memref_squeeze %dma_start3A_6 : memref<1x1x12544xf32, #tpu.memory_space<hbm>> -> memref<12544xf32, #tpu.memory_space<hbm>>
    %dma_start3A_8 = arith.constant 0 : i32
    %dma_start3A_9 = tpu.memref_slice %arg2[%shift_right_logical3A_1, %mul3A_4, %dma_start3A_8] : memref<4x192x12544xf32, #tpu.memory_space<hbm>> -> memref<1x1x12544xf32, #tpu.memory_space<hbm>>
    %dma_start3A_10 = tpu.memref_squeeze %dma_start3A_9 : memref<1x1x12544xf32, #tpu.memory_space<hbm>> -> memref<12544xf32, #tpu.memory_space<hbm>>
    tpu.enqueue_dma source(%dma_start3A_10 : memref<12544xf32, #tpu.memory_space<hbm>>) target(%arg5 : memref<12544xf32, #tpu.memory_space<vmem>>) target_semaphore(%arg9 : memref<!tpu.dma_semaphore, #tpu.memory_space<semaphore_mem>>)
    %dma_start3A_11 = arith.constant 0 : i32
    %dma_start3A_12 = tpu.memref_slice %arg3[%shift_right_logical3A_1, %mul3A_4, %dma_start3A_11] : memref<4x192x12544xi32, #tpu.memory_space<hbm>> -> memref<1x1x12544xi32, #tpu.memory_space<hbm>>
    %dma_start3A_13 = tpu.memref_squeeze %dma_start3A_12 : memref<1x1x12544xi32, #tpu.memory_space<hbm>> -> memref<12544xi32, #tpu.memory_space<hbm>>
    %dma_start3A_14 = arith.constant 0 : i32
    %dma_start3A_15 = tpu.memref_slice %arg3[%shift_right_logical3A_1, %mul3A_4, %dma_start3A_14] : memref<4x192x12544xi32, #tpu.memory_space<hbm>> -> memref<1x1x12544xi32, #tpu.memory_space<hbm>>
    %dma_start3A_16 = tpu.memref_squeeze %dma_start3A_15 : memref<1x1x12544xi32, #tpu.memory_space<hbm>> -> memref<12544xi32, #tpu.memory_space<hbm>>
    tpu.enqueue_dma source(%dma_start3A_16 : memref<12544xi32, #tpu.memory_space<hbm>>) target(%arg6 : memref<12544xi32, #tpu.memory_space<vmem>>) target_semaphore(%arg9 : memref<!tpu.dma_semaphore, #tpu.memory_space<semaphore_mem>>)
    %scan3A = arith.constant 0.333333343 : f32
    %scan3A_17 = arith.constant 0 : i32
    %scan3A_18 = arith.constant 12 : i32
    %scan3A_19 = arith.addi %scan3A_17, %scan3A_18 : i32
    %scan3A_20 = arith.constant 1 : i32
    scf.for %scan3A_40 = %scan3A_17 to %scan3A_19 step %scan3A_20  : i32 {
      %mul3A_41 = arith.constant 1 : i32
      %mul3A_42 = arith.muli %scan3A_40, %mul3A_41 : i32
      %add3A_43 = arith.constant 0 : i32
      %add3A_44 = arith.addi %add3A_43, %mul3A_42 : i32
      %mul3A_45 = arith.constant 2 : i32
      %mul3A_46 = arith.muli %mul3A_45, %add3A_44 : i32
      %add3A_47 = arith.addi %mul3A_4, %mul3A_46 : i32
      %add3A_48 = arith.constant 1 : i32
      %add3A_49 = arith.addi %add3A_47, %add3A_48 : i32
      %gt3A = arith.constant 0 : i32
      %gt3A_50 = arith.cmpi sgt, %add3A_44, %gt3A : i32
      %convert_element_type3A = arith.extui %gt3A_50 : i1 to i32
      %cond3A = arith.constant 0 : i32
      %cond3A_51 = arith.cmpi ne, %convert_element_type3A, %cond3A : i32
      scf.if %cond3A_51 {
        %sub3A_129 = arith.constant 2 : i32
        %sub3A_130 = arith.subi %add3A_47, %sub3A_129 : i32
        %dma_wait3A_131 = arith.constant 0 : i32
        %dma_wait3A_132 = tpu.memref_slice %arg4[%shift_right_logical3A_1, %sub3A_130, %dma_wait3A_131] : memref<4x192x50176xf32, #tpu.memory_space<hbm>> -> memref<1x1x50176xf32, #tpu.memory_space<hbm>>
        %dma_wait3A_133 = tpu.memref_squeeze %dma_wait3A_132 : memref<1x1x50176xf32, #tpu.memory_space<hbm>> -> memref<50176xf32, #tpu.memory_space<hbm>>
        %dma_wait3A_134 = arith.constant 0 : i32
        %dma_wait3A_135 = tpu.memref_slice %arg4[%shift_right_logical3A_1, %sub3A_130, %dma_wait3A_134] : memref<4x192x50176xf32, #tpu.memory_space<hbm>> -> memref<1x1x50176xf32, #tpu.memory_space<hbm>>
        %dma_wait3A_136 = tpu.memref_squeeze %dma_wait3A_135 : memref<1x1x50176xf32, #tpu.memory_space<hbm>> -> memref<50176xf32, #tpu.memory_space<hbm>>
        tpu.wait_dma2 semaphore(%arg10 : memref<!tpu.dma_semaphore, #tpu.memory_space<semaphore_mem>>) src(%arg7 : memref<50176xf32, #tpu.memory_space<vmem>>) dst(%dma_wait3A_136 : memref<50176xf32, #tpu.memory_space<hbm>>)
      } else {
      }
      %scan3A_52 = arith.constant 0 : i32
      %scan3A_53 = arith.constant 784 : i32
      %scan3A_54 = arith.addi %scan3A_52, %scan3A_53 : i32
      %scan3A_55 = arith.constant 1 : i32
      scf.for %scan3A_129 = %scan3A_52 to %scan3A_54 step %scan3A_55  : i32 {
        %mul3A_130 = arith.constant 64 : i32
        %mul3A_131 = arith.muli %scan3A_129, %mul3A_130 : i32
        %add3A_132 = arith.constant 0 : i32
        %add3A_133 = arith.addi %add3A_132, %mul3A_131 : i32
        %swap3A = arith.index_cast %add3A_133 : i32 to index
        %swap3A_134 = tpu.vector_load %arg7[%swap3A] {strides = array<i32>} : memref<50176xf32, #tpu.memory_space<vmem>>, vector<16xf32>,
        tpu.vector_store %arg7[%swap3A], %broadcast_in_dim3A_5 {strides = array<i32>} : memref<50176xf32, #tpu.memory_space<vmem>>, vector<16xf32>,
        %add3A_135 = arith.constant 16 : i32
        %add3A_136 = arith.addi %add3A_133, %add3A_135 : i32
        %swap3A_137 = arith.index_cast %add3A_136 : i32 to index
        %swap3A_138 = tpu.vector_load %arg7[%swap3A_137] {strides = array<i32>} : memref<50176xf32, #tpu.memory_space<vmem>>, vector<16xf32>,
        tpu.vector_store %arg7[%swap3A_137], %broadcast_in_dim3A_5 {strides = array<i32>} : memref<50176xf32, #tpu.memory_space<vmem>>, vector<16xf32>,
        %add3A_139 = arith.constant 32 : i32
        %add3A_140 = arith.addi %add3A_133, %add3A_139 : i32
        %swap3A_141 = arith.index_cast %add3A_140 : i32 to index
        %swap3A_142 = tpu.vector_load %arg7[%swap3A_141] {strides = array<i32>} : memref<50176xf32, #tpu.memory_space<vmem>>, vector<16xf32>,
        tpu.vector_store %arg7[%swap3A_141], %broadcast_in_dim3A_5 {strides = array<i32>} : memref<50176xf32, #tpu.memory_space<vmem>>, vector<16xf32>,
        %add3A_143 = arith.constant 48 : i32
        %add3A_144 = arith.addi %add3A_133, %add3A_143 : i32
        %swap3A_145 = arith.index_cast %add3A_144 : i32 to index
        %swap3A_146 = tpu.vector_load %arg7[%swap3A_145] {strides = array<i32>} : memref<50176xf32, #tpu.memory_space<vmem>>, vector<16xf32>,
        tpu.vector_store %arg7[%swap3A_145], %broadcast_in_dim3A_5 {strides = array<i32>} : memref<50176xf32, #tpu.memory_space<vmem>>, vector<16xf32>,
      }
      %scan3A_56 = arith.constant 784 : i32
      %dma_wait3A_57 = arith.constant 0 : i32
      %dma_wait3A_58 = tpu.memref_slice %arg2[%shift_right_logical3A_1, %add3A_47, %dma_wait3A_57] : memref<4x192x12544xf32, #tpu.memory_space<hbm>> -> memref<1x1x12544xf32, #tpu.memory_space<hbm>>
      %dma_wait3A_59 = tpu.memref_squeeze %dma_wait3A_58 : memref<1x1x12544xf32, #tpu.memory_space<hbm>> -> memref<12544xf32, #tpu.memory_space<hbm>>
      %dma_wait3A_60 = arith.constant 0 : i32
      %dma_wait3A_61 = tpu.memref_slice %arg2[%shift_right_logical3A_1, %add3A_47, %dma_wait3A_60] : memref<4x192x12544xf32, #tpu.memory_space<hbm>> -> memref<1x1x12544xf32, #tpu.memory_space<hbm>>
      %dma_wait3A_62 = tpu.memref_squeeze %dma_wait3A_61 : memref<1x1x12544xf32, #tpu.memory_space<hbm>> -> memref<12544xf32, #tpu.memory_space<hbm>>
      tpu.wait_dma2 semaphore(%arg9 : memref<!tpu.dma_semaphore, #tpu.memory_space<semaphore_mem>>) src(%dma_wait3A_62 : memref<12544xf32, #tpu.memory_space<hbm>>) dst(%arg5 : memref<12544xf32, #tpu.memory_space<vmem>>)
      %dma_wait3A_63 = arith.constant 0 : i32
      %dma_wait3A_64 = tpu.memref_slice %arg3[%shift_right_logical3A_1, %add3A_47, %dma_wait3A_63] : memref<4x192x12544xi32, #tpu.memory_space<hbm>> -> memref<1x1x12544xi32, #tpu.memory_space<hbm>>
      %dma_wait3A_65 = tpu.memref_squeeze %dma_wait3A_64 : memref<1x1x12544xi32, #tpu.memory_space<hbm>> -> memref<12544xi32, #tpu.memory_space<hbm>>
      %dma_wait3A_66 = arith.constant 0 : i32
      %dma_wait3A_67 = tpu.memref_slice %arg3[%shift_right_logical3A_1, %add3A_47, %dma_wait3A_66] : memref<4x192x12544xi32, #tpu.memory_space<hbm>> -> memref<1x1x12544xi32, #tpu.memory_space<hbm>>
      %dma_wait3A_68 = tpu.memref_squeeze %dma_wait3A_67 : memref<1x1x12544xi32, #tpu.memory_space<hbm>> -> memref<12544xi32, #tpu.memory_space<hbm>>
      tpu.wait_dma2 semaphore(%arg9 : memref<!tpu.dma_semaphore, #tpu.memory_space<semaphore_mem>>) src(%dma_wait3A_68 : memref<12544xi32, #tpu.memory_space<hbm>>) dst(%arg6 : memref<12544xi32, #tpu.memory_space<vmem>>)
      %scan3A_69 = arith.constant 0 : i32
      %scan3A_70 = arith.constant 196 : i32
      %scan3A_71 = arith.addi %scan3A_69, %scan3A_70 : i32
      %scan3A_72 = arith.constant 1 : i32
      scf.for %scan3A_129 = %scan3A_69 to %scan3A_71 step %scan3A_72  : i32 {
        %mul3A_130 = arith.constant 64 : i32
        %mul3A_131 = arith.muli %scan3A_129, %mul3A_130 : i32
        %add3A_132 = arith.constant 0 : i32
        %add3A_133 = arith.addi %add3A_132, %mul3A_131 : i32
        %add3A_134 = arith.constant 0 : i32
        %add3A_135 = arith.addi %add3A_133, %add3A_134 : i32
        %get3A = arith.index_cast %add3A_135 : i32 to index
        %get3A_136 = tpu.vector_load %arg6[%get3A] {strides = array<i32>} : memref<12544xi32, #tpu.memory_space<vmem>>, vector<16xi32>,
        %add3A_137 = arith.constant 0 : i32
        %add3A_138 = arith.addi %add3A_133, %add3A_137 : i32
        %get3A_139 = arith.index_cast %add3A_138 : i32 to index
        %get3A_140 = tpu.vector_load %arg5[%get3A_139] {strides = array<i32>} : memref<12544xf32, #tpu.memory_space<vmem>>, vector<16xf32>,
        %convert_element_type3A_141 = arith.sitofp %get3A_136 : vector<16xi32> to vector<16xf32>
        %mul3A_142 = vector.broadcast %scan3A : f32 to vector<16xf32>
        %mul3A_143 = arith.mulf %convert_element_type3A_141, %mul3A_142 : vector<16xf32>
        %convert_element_type3A_144 = arith.fptosi %mul3A_143 : vector<16xf32> to vector<16xi32>
        tpu.vector_store_idx %arg7[%convert_element_type3A_144], %get3A_140 {add = true} : memref<50176xf32, #tpu.memory_space<vmem>>[vector<16xi32>], vector<16xf32>,
        %add3A_145 = arith.constant 16 : i32
        %add3A_146 = arith.addi %add3A_133, %add3A_145 : i32
        %get3A_147 = arith.index_cast %add3A_146 : i32 to index
        %get3A_148 = tpu.vector_load %arg6[%get3A_147] {strides = array<i32>} : memref<12544xi32, #tpu.memory_space<vmem>>, vector<16xi32>,
        %add3A_149 = arith.constant 16 : i32
        %add3A_150 = arith.addi %add3A_133, %add3A_149 : i32
        %get3A_151 = arith.index_cast %add3A_150 : i32 to index
        %get3A_152 = tpu.vector_load %arg5[%get3A_151] {strides = array<i32>} : memref<12544xf32, #tpu.memory_space<vmem>>, vector<16xf32>,
        %convert_element_type3A_153 = arith.sitofp %get3A_148 : vector<16xi32> to vector<16xf32>
        %mul3A_154 = vector.broadcast %scan3A : f32 to vector<16xf32>
        %mul3A_155 = arith.mulf %convert_element_type3A_153, %mul3A_154 : vector<16xf32>
        %convert_element_type3A_156 = arith.fptosi %mul3A_155 : vector<16xf32> to vector<16xi32>
        tpu.vector_store_idx %arg7[%convert_element_type3A_156], %get3A_152 {add = true} : memref<50176xf32, #tpu.memory_space<vmem>>[vector<16xi32>], vector<16xf32>,
        %add3A_157 = arith.constant 32 : i32
        %add3A_158 = arith.addi %add3A_133, %add3A_157 : i32
        %get3A_159 = arith.index_cast %add3A_158 : i32 to index
        %get3A_160 = tpu.vector_load %arg6[%get3A_159] {strides = array<i32>} : memref<12544xi32, #tpu.memory_space<vmem>>, vector<16xi32>,
        %add3A_161 = arith.constant 32 : i32
        %add3A_162 = arith.addi %add3A_133, %add3A_161 : i32
        %get3A_163 = arith.index_cast %add3A_162 : i32 to index
        %get3A_164 = tpu.vector_load %arg5[%get3A_163] {strides = array<i32>} : memref<12544xf32, #tpu.memory_space<vmem>>, vector<16xf32>,
        %convert_element_type3A_165 = arith.sitofp %get3A_160 : vector<16xi32> to vector<16xf32>
        %mul3A_166 = vector.broadcast %scan3A : f32 to vector<16xf32>
        %mul3A_167 = arith.mulf %convert_element_type3A_165, %mul3A_166 : vector<16xf32>
        %convert_element_type3A_168 = arith.fptosi %mul3A_167 : vector<16xf32> to vector<16xi32>
        tpu.vector_store_idx %arg7[%convert_element_type3A_168], %get3A_164 {add = true} : memref<50176xf32, #tpu.memory_space<vmem>>[vector<16xi32>], vector<16xf32>,
        %add3A_169 = arith.constant 48 : i32
        %add3A_170 = arith.addi %add3A_133, %add3A_169 : i32
        %get3A_171 = arith.index_cast %add3A_170 : i32 to index
        %get3A_172 = tpu.vector_load %arg6[%get3A_171] {strides = array<i32>} : memref<12544xi32, #tpu.memory_space<vmem>>, vector<16xi32>,
        %add3A_173 = arith.constant 48 : i32
        %add3A_174 = arith.addi %add3A_133, %add3A_173 : i32
        %get3A_175 = arith.index_cast %add3A_174 : i32 to index
        %get3A_176 = tpu.vector_load %arg5[%get3A_175] {strides = array<i32>} : memref<12544xf32, #tpu.memory_space<vmem>>, vector<16xf32>,
        %convert_element_type3A_177 = arith.sitofp %get3A_172 : vector<16xi32> to vector<16xf32>
        %mul3A_178 = vector.broadcast %scan3A : f32 to vector<16xf32>
        %mul3A_179 = arith.mulf %convert_element_type3A_177, %mul3A_178 : vector<16xf32>
        %convert_element_type3A_180 = arith.fptosi %mul3A_179 : vector<16xf32> to vector<16xi32>
        tpu.vector_store_idx %arg7[%convert_element_type3A_180], %get3A_176 {add = true} : memref<50176xf32, #tpu.memory_space<vmem>>[vector<16xi32>], vector<16xf32>,
      }
      %scan3A_73 = arith.constant 196 : i32
      %dma_start3A_74 = arith.constant 0 : i32
      %dma_start3A_75 = tpu.memref_slice %arg2[%shift_right_logical3A_1, %add3A_49, %dma_start3A_74] : memref<4x192x12544xf32, #tpu.memory_space<hbm>> -> memref<1x1x12544xf32, #tpu.memory_space<hbm>>
      %dma_start3A_76 = tpu.memref_squeeze %dma_start3A_75 : memref<1x1x12544xf32, #tpu.memory_space<hbm>> -> memref<12544xf32, #tpu.memory_space<hbm>>
      %dma_start3A_77 = arith.constant 0 : i32
      %dma_start3A_78 = tpu.memref_slice %arg2[%shift_right_logical3A_1, %add3A_49, %dma_start3A_77] : memref<4x192x12544xf32, #tpu.memory_space<hbm>> -> memref<1x1x12544xf32, #tpu.memory_space<hbm>>
      %dma_start3A_79 = tpu.memref_squeeze %dma_start3A_78 : memref<1x1x12544xf32, #tpu.memory_space<hbm>> -> memref<12544xf32, #tpu.memory_space<hbm>>
      tpu.enqueue_dma source(%dma_start3A_79 : memref<12544xf32, #tpu.memory_space<hbm>>) target(%arg5 : memref<12544xf32, #tpu.memory_space<vmem>>) target_semaphore(%arg9 : memref<!tpu.dma_semaphore, #tpu.memory_space<semaphore_mem>>)
      %dma_start3A_80 = arith.constant 0 : i32
      %dma_start3A_81 = tpu.memref_slice %arg3[%shift_right_logical3A_1, %add3A_49, %dma_start3A_80] : memref<4x192x12544xi32, #tpu.memory_space<hbm>> -> memref<1x1x12544xi32, #tpu.memory_space<hbm>>
      %dma_start3A_82 = tpu.memref_squeeze %dma_start3A_81 : memref<1x1x12544xi32, #tpu.memory_space<hbm>> -> memref<12544xi32, #tpu.memory_space<hbm>>
      %dma_start3A_83 = arith.constant 0 : i32
      %dma_start3A_84 = tpu.memref_slice %arg3[%shift_right_logical3A_1, %add3A_49, %dma_start3A_83] : memref<4x192x12544xi32, #tpu.memory_space<hbm>> -> memref<1x1x12544xi32, #tpu.memory_space<hbm>>
      %dma_start3A_85 = tpu.memref_squeeze %dma_start3A_84 : memref<1x1x12544xi32, #tpu.memory_space<hbm>> -> memref<12544xi32, #tpu.memory_space<hbm>>
      tpu.enqueue_dma source(%dma_start3A_85 : memref<12544xi32, #tpu.memory_space<hbm>>) target(%arg6 : memref<12544xi32, #tpu.memory_space<vmem>>) target_semaphore(%arg9 : memref<!tpu.dma_semaphore, #tpu.memory_space<semaphore_mem>>)
      %dma_start3A_86 = arith.constant 0 : i32
      %dma_start3A_87 = tpu.memref_slice %arg4[%shift_right_logical3A_1, %add3A_47, %dma_start3A_86] : memref<4x192x50176xf32, #tpu.memory_space<hbm>> -> memref<1x1x50176xf32, #tpu.memory_space<hbm>>
      %dma_start3A_88 = tpu.memref_squeeze %dma_start3A_87 : memref<1x1x50176xf32, #tpu.memory_space<hbm>> -> memref<50176xf32, #tpu.memory_space<hbm>>
      %dma_start3A_89 = arith.constant 0 : i32
      %dma_start3A_90 = tpu.memref_slice %arg4[%shift_right_logical3A_1, %add3A_47, %dma_start3A_89] : memref<4x192x50176xf32, #tpu.memory_space<hbm>> -> memref<1x1x50176xf32, #tpu.memory_space<hbm>>
      %dma_start3A_91 = tpu.memref_squeeze %dma_start3A_90 : memref<1x1x50176xf32, #tpu.memory_space<hbm>> -> memref<50176xf32, #tpu.memory_space<hbm>>
      tpu.enqueue_dma source(%arg7 : memref<50176xf32, #tpu.memory_space<vmem>>) target(%dma_start3A_91 : memref<50176xf32, #tpu.memory_space<hbm>>) target_semaphore(%arg10 : memref<!tpu.dma_semaphore, #tpu.memory_space<semaphore_mem>>)
      %gt3A_92 = arith.constant 0 : i32
      %gt3A_93 = arith.cmpi sgt, %add3A_44, %gt3A_92 : i32
      %convert_element_type3A_94 = arith.extui %gt3A_93 : i1 to i32
      %cond3A_95 = arith.constant 0 : i32
      %cond3A_96 = arith.cmpi ne, %convert_element_type3A_94, %cond3A_95 : i32
      scf.if %cond3A_96 {
        %sub3A_129 = arith.constant 2 : i32
        %sub3A_130 = arith.subi %add3A_49, %sub3A_129 : i32
        %dma_wait3A_131 = arith.constant 0 : i32
        %dma_wait3A_132 = tpu.memref_slice %arg4[%shift_right_logical3A_1, %sub3A_130, %dma_wait3A_131] : memref<4x192x50176xf32, #tpu.memory_space<hbm>> -> memref<1x1x50176xf32, #tpu.memory_space<hbm>>
        %dma_wait3A_133 = tpu.memref_squeeze %dma_wait3A_132 : memref<1x1x50176xf32, #tpu.memory_space<hbm>> -> memref<50176xf32, #tpu.memory_space<hbm>>
        %dma_wait3A_134 = arith.constant 0 : i32
        %dma_wait3A_135 = tpu.memref_slice %arg4[%shift_right_logical3A_1, %sub3A_130, %dma_wait3A_134] : memref<4x192x50176xf32, #tpu.memory_space<hbm>> -> memref<1x1x50176xf32, #tpu.memory_space<hbm>>
        %dma_wait3A_136 = tpu.memref_squeeze %dma_wait3A_135 : memref<1x1x50176xf32, #tpu.memory_space<hbm>> -> memref<50176xf32, #tpu.memory_space<hbm>>
        tpu.wait_dma2 semaphore(%arg11 : memref<!tpu.dma_semaphore, #tpu.memory_space<semaphore_mem>>) src(%arg8 : memref<50176xf32, #tpu.memory_space<vmem>>) dst(%dma_wait3A_136 : memref<50176xf32, #tpu.memory_space<hbm>>)
      } else {
      }
      %scan3A_97 = arith.constant 0 : i32
      %scan3A_98 = arith.constant 784 : i32
      %scan3A_99 = arith.addi %scan3A_97, %scan3A_98 : i32
      %scan3A_100 = arith.constant 1 : i32
      scf.for %scan3A_129 = %scan3A_97 to %scan3A_99 step %scan3A_100  : i32 {
        %mul3A_130 = arith.constant 64 : i32
        %mul3A_131 = arith.muli %scan3A_129, %mul3A_130 : i32
        %add3A_132 = arith.constant 0 : i32
        %add3A_133 = arith.addi %add3A_132, %mul3A_131 : i32
        %swap3A = arith.index_cast %add3A_133 : i32 to index
        %swap3A_134 = tpu.vector_load %arg8[%swap3A] {strides = array<i32>} : memref<50176xf32, #tpu.memory_space<vmem>>, vector<16xf32>,
        tpu.vector_store %arg8[%swap3A], %broadcast_in_dim3A_5 {strides = array<i32>} : memref<50176xf32, #tpu.memory_space<vmem>>, vector<16xf32>,
        %add3A_135 = arith.constant 16 : i32
        %add3A_136 = arith.addi %add3A_133, %add3A_135 : i32
        %swap3A_137 = arith.index_cast %add3A_136 : i32 to index
        %swap3A_138 = tpu.vector_load %arg8[%swap3A_137] {strides = array<i32>} : memref<50176xf32, #tpu.memory_space<vmem>>, vector<16xf32>,
        tpu.vector_store %arg8[%swap3A_137], %broadcast_in_dim3A_5 {strides = array<i32>} : memref<50176xf32, #tpu.memory_space<vmem>>, vector<16xf32>,
        %add3A_139 = arith.constant 32 : i32
        %add3A_140 = arith.addi %add3A_133, %add3A_139 : i32
        %swap3A_141 = arith.index_cast %add3A_140 : i32 to index
        %swap3A_142 = tpu.vector_load %arg8[%swap3A_141] {strides = array<i32>} : memref<50176xf32, #tpu.memory_space<vmem>>, vector<16xf32>,
        tpu.vector_store %arg8[%swap3A_141], %broadcast_in_dim3A_5 {strides = array<i32>} : memref<50176xf32, #tpu.memory_space<vmem>>, vector<16xf32>,
        %add3A_143 = arith.constant 48 : i32
        %add3A_144 = arith.addi %add3A_133, %add3A_143 : i32
        %swap3A_145 = arith.index_cast %add3A_144 : i32 to index
        %swap3A_146 = tpu.vector_load %arg8[%swap3A_145] {strides = array<i32>} : memref<50176xf32, #tpu.memory_space<vmem>>, vector<16xf32>,
        tpu.vector_store %arg8[%swap3A_145], %broadcast_in_dim3A_5 {strides = array<i32>} : memref<50176xf32, #tpu.memory_space<vmem>>, vector<16xf32>,
      }
      %scan3A_101 = arith.constant 784 : i32
      %dma_wait3A_102 = arith.constant 0 : i32
      %dma_wait3A_103 = tpu.memref_slice %arg2[%shift_right_logical3A_1, %add3A_49, %dma_wait3A_102] : memref<4x192x12544xf32, #tpu.memory_space<hbm>> -> memref<1x1x12544xf32, #tpu.memory_space<hbm>>
      %dma_wait3A_104 = tpu.memref_squeeze %dma_wait3A_103 : memref<1x1x12544xf32, #tpu.memory_space<hbm>> -> memref<12544xf32, #tpu.memory_space<hbm>>
      %dma_wait3A_105 = arith.constant 0 : i32
      %dma_wait3A_106 = tpu.memref_slice %arg2[%shift_right_logical3A_1, %add3A_49, %dma_wait3A_105] : memref<4x192x12544xf32, #tpu.memory_space<hbm>> -> memref<1x1x12544xf32, #tpu.memory_space<hbm>>
      %dma_wait3A_107 = tpu.memref_squeeze %dma_wait3A_106 : memref<1x1x12544xf32, #tpu.memory_space<hbm>> -> memref<12544xf32, #tpu.memory_space<hbm>>
      tpu.wait_dma2 semaphore(%arg9 : memref<!tpu.dma_semaphore, #tpu.memory_space<semaphore_mem>>) src(%dma_wait3A_107 : memref<12544xf32, #tpu.memory_space<hbm>>) dst(%arg5 : memref<12544xf32, #tpu.memory_space<vmem>>)
      %dma_wait3A_108 = arith.constant 0 : i32
      %dma_wait3A_109 = tpu.memref_slice %arg3[%shift_right_logical3A_1, %add3A_49, %dma_wait3A_108] : memref<4x192x12544xi32, #tpu.memory_space<hbm>> -> memref<1x1x12544xi32, #tpu.memory_space<hbm>>
      %dma_wait3A_110 = tpu.memref_squeeze %dma_wait3A_109 : memref<1x1x12544xi32, #tpu.memory_space<hbm>> -> memref<12544xi32, #tpu.memory_space<hbm>>
      %dma_wait3A_111 = arith.constant 0 : i32
      %dma_wait3A_112 = tpu.memref_slice %arg3[%shift_right_logical3A_1, %add3A_49, %dma_wait3A_111] : memref<4x192x12544xi32, #tpu.memory_space<hbm>> -> memref<1x1x12544xi32, #tpu.memory_space<hbm>>
      %dma_wait3A_113 = tpu.memref_squeeze %dma_wait3A_112 : memref<1x1x12544xi32, #tpu.memory_space<hbm>> -> memref<12544xi32, #tpu.memory_space<hbm>>
      tpu.wait_dma2 semaphore(%arg9 : memref<!tpu.dma_semaphore, #tpu.memory_space<semaphore_mem>>) src(%dma_wait3A_113 : memref<12544xi32, #tpu.memory_space<hbm>>) dst(%arg6 : memref<12544xi32, #tpu.memory_space<vmem>>)
      %scan3A_114 = arith.constant 0 : i32
      %scan3A_115 = arith.constant 196 : i32
      %scan3A_116 = arith.addi %scan3A_114, %scan3A_115 : i32
      %scan3A_117 = arith.constant 1 : i32
      scf.for %scan3A_129 = %scan3A_114 to %scan3A_116 step %scan3A_117  : i32 {
        %mul3A_130 = arith.constant 64 : i32
        %mul3A_131 = arith.muli %scan3A_129, %mul3A_130 : i32
        %add3A_132 = arith.constant 0 : i32
        %add3A_133 = arith.addi %add3A_132, %mul3A_131 : i32
        %add3A_134 = arith.constant 0 : i32
        %add3A_135 = arith.addi %add3A_133, %add3A_134 : i32
        %get3A = arith.index_cast %add3A_135 : i32 to index
        %get3A_136 = tpu.vector_load %arg6[%get3A] {strides = array<i32>} : memref<12544xi32, #tpu.memory_space<vmem>>, vector<16xi32>,
        %add3A_137 = arith.constant 0 : i32
        %add3A_138 = arith.addi %add3A_133, %add3A_137 : i32
        %get3A_139 = arith.index_cast %add3A_138 : i32 to index
        %get3A_140 = tpu.vector_load %arg5[%get3A_139] {strides = array<i32>} : memref<12544xf32, #tpu.memory_space<vmem>>, vector<16xf32>,
        %convert_element_type3A_141 = arith.sitofp %get3A_136 : vector<16xi32> to vector<16xf32>
        %mul3A_142 = vector.broadcast %scan3A : f32 to vector<16xf32>
        %mul3A_143 = arith.mulf %convert_element_type3A_141, %mul3A_142 : vector<16xf32>
        %convert_element_type3A_144 = arith.fptosi %mul3A_143 : vector<16xf32> to vector<16xi32>
        tpu.vector_store_idx %arg8[%convert_element_type3A_144], %get3A_140 {add = true} : memref<50176xf32, #tpu.memory_space<vmem>>[vector<16xi32>], vector<16xf32>,
        %add3A_145 = arith.constant 16 : i32
        %add3A_146 = arith.addi %add3A_133, %add3A_145 : i32
        %get3A_147 = arith.index_cast %add3A_146 : i32 to index
        %get3A_148 = tpu.vector_load %arg6[%get3A_147] {strides = array<i32>} : memref<12544xi32, #tpu.memory_space<vmem>>, vector<16xi32>,
        %add3A_149 = arith.constant 16 : i32
        %add3A_150 = arith.addi %add3A_133, %add3A_149 : i32
        %get3A_151 = arith.index_cast %add3A_150 : i32 to index
        %get3A_152 = tpu.vector_load %arg5[%get3A_151] {strides = array<i32>} : memref<12544xf32, #tpu.memory_space<vmem>>, vector<16xf32>,
        %convert_element_type3A_153 = arith.sitofp %get3A_148 : vector<16xi32> to vector<16xf32>
        %mul3A_154 = vector.broadcast %scan3A : f32 to vector<16xf32>
        %mul3A_155 = arith.mulf %convert_element_type3A_153, %mul3A_154 : vector<16xf32>
        %convert_element_type3A_156 = arith.fptosi %mul3A_155 : vector<16xf32> to vector<16xi32>
        tpu.vector_store_idx %arg8[%convert_element_type3A_156], %get3A_152 {add = true} : memref<50176xf32, #tpu.memory_space<vmem>>[vector<16xi32>], vector<16xf32>,
        %add3A_157 = arith.constant 32 : i32
        %add3A_158 = arith.addi %add3A_133, %add3A_157 : i32
        %get3A_159 = arith.index_cast %add3A_158 : i32 to index
        %get3A_160 = tpu.vector_load %arg6[%get3A_159] {strides = array<i32>} : memref<12544xi32, #tpu.memory_space<vmem>>, vector<16xi32>,
        %add3A_161 = arith.constant 32 : i32
        %add3A_162 = arith.addi %add3A_133, %add3A_161 : i32
        %get3A_163 = arith.index_cast %add3A_162 : i32 to index
        %get3A_164 = tpu.vector_load %arg5[%get3A_163] {strides = array<i32>} : memref<12544xf32, #tpu.memory_space<vmem>>, vector<16xf32>,
        %convert_element_type3A_165 = arith.sitofp %get3A_160 : vector<16xi32> to vector<16xf32>
        %mul3A_166 = vector.broadcast %scan3A : f32 to vector<16xf32>
        %mul3A_167 = arith.mulf %convert_element_type3A_165, %mul3A_166 : vector<16xf32>
        %convert_element_type3A_168 = arith.fptosi %mul3A_167 : vector<16xf32> to vector<16xi32>
        tpu.vector_store_idx %arg8[%convert_element_type3A_168], %get3A_164 {add = true} : memref<50176xf32, #tpu.memory_space<vmem>>[vector<16xi32>], vector<16xf32>,
        %add3A_169 = arith.constant 48 : i32
        %add3A_170 = arith.addi %add3A_133, %add3A_169 : i32
        %get3A_171 = arith.index_cast %add3A_170 : i32 to index
        %get3A_172 = tpu.vector_load %arg6[%get3A_171] {strides = array<i32>} : memref<12544xi32, #tpu.memory_space<vmem>>, vector<16xi32>,
        %add3A_173 = arith.constant 48 : i32
        %add3A_174 = arith.addi %add3A_133, %add3A_173 : i32
        %get3A_175 = arith.index_cast %add3A_174 : i32 to index
        %get3A_176 = tpu.vector_load %arg5[%get3A_175] {strides = array<i32>} : memref<12544xf32, #tpu.memory_space<vmem>>, vector<16xf32>,
        %convert_element_type3A_177 = arith.sitofp %get3A_172 : vector<16xi32> to vector<16xf32>
        %mul3A_178 = vector.broadcast %scan3A : f32 to vector<16xf32>
        %mul3A_179 = arith.mulf %convert_element_type3A_177, %mul3A_178 : vector<16xf32>
        %convert_element_type3A_180 = arith.fptosi %mul3A_179 : vector<16xf32> to vector<16xi32>
        tpu.vector_store_idx %arg8[%convert_element_type3A_180], %get3A_176 {add = true} : memref<50176xf32, #tpu.memory_space<vmem>>[vector<16xi32>], vector<16xf32>,
      }
      %scan3A_118 = arith.constant 196 : i32
      %lt3A = arith.constant 11 : i32
      %lt3A_119 = arith.cmpi slt, %add3A_44, %lt3A : i32
      %convert_element_type3A_120 = arith.extui %lt3A_119 : i1 to i32
      %cond3A_121 = arith.constant 0 : i32
      %cond3A_122 = arith.cmpi ne, %convert_element_type3A_120, %cond3A_121 : i32
      scf.if %cond3A_122 {
        %add3A_129 = arith.constant 1 : i32
        %add3A_130 = arith.addi %add3A_49, %add3A_129 : i32
        %dma_start3A_131 = arith.constant 0 : i32
        %dma_start3A_132 = tpu.memref_slice %arg2[%shift_right_logical3A_1, %add3A_130, %dma_start3A_131] : memref<4x192x12544xf32, #tpu.memory_space<hbm>> -> memref<1x1x12544xf32, #tpu.memory_space<hbm>>
        %dma_start3A_133 = tpu.memref_squeeze %dma_start3A_132 : memref<1x1x12544xf32, #tpu.memory_space<hbm>> -> memref<12544xf32, #tpu.memory_space<hbm>>
        %dma_start3A_134 = arith.constant 0 : i32
        %dma_start3A_135 = tpu.memref_slice %arg2[%shift_right_logical3A_1, %add3A_130, %dma_start3A_134] : memref<4x192x12544xf32, #tpu.memory_space<hbm>> -> memref<1x1x12544xf32, #tpu.memory_space<hbm>>
        %dma_start3A_136 = tpu.memref_squeeze %dma_start3A_135 : memref<1x1x12544xf32, #tpu.memory_space<hbm>> -> memref<12544xf32, #tpu.memory_space<hbm>>
        tpu.enqueue_dma source(%dma_start3A_136 : memref<12544xf32, #tpu.memory_space<hbm>>) target(%arg5 : memref<12544xf32, #tpu.memory_space<vmem>>) target_semaphore(%arg9 : memref<!tpu.dma_semaphore, #tpu.memory_space<semaphore_mem>>)
        %dma_start3A_137 = arith.constant 0 : i32
        %dma_start3A_138 = tpu.memref_slice %arg3[%shift_right_logical3A_1, %add3A_130, %dma_start3A_137] : memref<4x192x12544xi32, #tpu.memory_space<hbm>> -> memref<1x1x12544xi32, #tpu.memory_space<hbm>>
        %dma_start3A_139 = tpu.memref_squeeze %dma_start3A_138 : memref<1x1x12544xi32, #tpu.memory_space<hbm>> -> memref<12544xi32, #tpu.memory_space<hbm>>
        %dma_start3A_140 = arith.constant 0 : i32
        %dma_start3A_141 = tpu.memref_slice %arg3[%shift_right_logical3A_1, %add3A_130, %dma_start3A_140] : memref<4x192x12544xi32, #tpu.memory_space<hbm>> -> memref<1x1x12544xi32, #tpu.memory_space<hbm>>
        %dma_start3A_142 = tpu.memref_squeeze %dma_start3A_141 : memref<1x1x12544xi32, #tpu.memory_space<hbm>> -> memref<12544xi32, #tpu.memory_space<hbm>>
        tpu.enqueue_dma source(%dma_start3A_142 : memref<12544xi32, #tpu.memory_space<hbm>>) target(%arg6 : memref<12544xi32, #tpu.memory_space<vmem>>) target_semaphore(%arg9 : memref<!tpu.dma_semaphore, #tpu.memory_space<semaphore_mem>>)
      } else {
      }
      %dma_start3A_123 = arith.constant 0 : i32
      %dma_start3A_124 = tpu.memref_slice %arg4[%shift_right_logical3A_1, %add3A_49, %dma_start3A_123] : memref<4x192x50176xf32, #tpu.memory_space<hbm>> -> memref<1x1x50176xf32, #tpu.memory_space<hbm>>
      %dma_start3A_125 = tpu.memref_squeeze %dma_start3A_124 : memref<1x1x50176xf32, #tpu.memory_space<hbm>> -> memref<50176xf32, #tpu.memory_space<hbm>>
      %dma_start3A_126 = arith.constant 0 : i32
      %dma_start3A_127 = tpu.memref_slice %arg4[%shift_right_logical3A_1, %add3A_49, %dma_start3A_126] : memref<4x192x50176xf32, #tpu.memory_space<hbm>> -> memref<1x1x50176xf32, #tpu.memory_space<hbm>>
      %dma_start3A_128 = tpu.memref_squeeze %dma_start3A_127 : memref<1x1x50176xf32, #tpu.memory_space<hbm>> -> memref<50176xf32, #tpu.memory_space<hbm>>
      tpu.enqueue_dma source(%arg8 : memref<50176xf32, #tpu.memory_space<vmem>>) target(%dma_start3A_128 : memref<50176xf32, #tpu.memory_space<hbm>>) target_semaphore(%arg11 : memref<!tpu.dma_semaphore, #tpu.memory_space<semaphore_mem>>)
    }
    %scan3A_21 = arith.constant 12 : i32
    %add3A_22 = arith.constant 24 : i32
    %add3A_23 = arith.addi %mul3A_4, %add3A_22 : i32
    %sub3A = arith.constant 2 : i32
    %sub3A_24 = arith.subi %add3A_23, %sub3A : i32
    %dma_wait3A = arith.constant 0 : i32
    %dma_wait3A_25 = tpu.memref_slice %arg4[%shift_right_logical3A_1, %sub3A_24, %dma_wait3A] : memref<4x192x50176xf32, #tpu.memory_space<hbm>> -> memref<1x1x50176xf32, #tpu.memory_space<hbm>>
    %dma_wait3A_26 = tpu.memref_squeeze %dma_wait3A_25 : memref<1x1x50176xf32, #tpu.memory_space<hbm>> -> memref<50176xf32, #tpu.memory_space<hbm>>
    %dma_wait3A_27 = arith.constant 0 : i32
    %dma_wait3A_28 = tpu.memref_slice %arg4[%shift_right_logical3A_1, %sub3A_24, %dma_wait3A_27] : memref<4x192x50176xf32, #tpu.memory_space<hbm>> -> memref<1x1x50176xf32, #tpu.memory_space<hbm>>
    %dma_wait3A_29 = tpu.memref_squeeze %dma_wait3A_28 : memref<1x1x50176xf32, #tpu.memory_space<hbm>> -> memref<50176xf32, #tpu.memory_space<hbm>>
    tpu.wait_dma2 semaphore(%arg10 : memref<!tpu.dma_semaphore, #tpu.memory_space<semaphore_mem>>) src(%arg7 : memref<50176xf32, #tpu.memory_space<vmem>>) dst(%dma_wait3A_29 : memref<50176xf32, #tpu.memory_space<hbm>>)
    %add3A_30 = arith.constant 24 : i32
    %add3A_31 = arith.addi %mul3A_4, %add3A_30 : i32
    %sub3A_32 = arith.constant 1 : i32
    %sub3A_33 = arith.subi %add3A_31, %sub3A_32 : i32
    %dma_wait3A_34 = arith.constant 0 : i32
    %dma_wait3A_35 = tpu.memref_slice %arg4[%shift_right_logical3A_1, %sub3A_33, %dma_wait3A_34] : memref<4x192x50176xf32, #tpu.memory_space<hbm>> -> memref<1x1x50176xf32, #tpu.memory_space<hbm>>
    %dma_wait3A_36 = tpu.memref_squeeze %dma_wait3A_35 : memref<1x1x50176xf32, #tpu.memory_space<hbm>> -> memref<50176xf32, #tpu.memory_space<hbm>>
    %dma_wait3A_37 = arith.constant 0 : i32
    %dma_wait3A_38 = tpu.memref_slice %arg4[%shift_right_logical3A_1, %sub3A_33, %dma_wait3A_37] : memref<4x192x50176xf32, #tpu.memory_space<hbm>> -> memref<1x1x50176xf32, #tpu.memory_space<hbm>>
    %dma_wait3A_39 = tpu.memref_squeeze %dma_wait3A_38 : memref<1x1x50176xf32, #tpu.memory_space<hbm>> -> memref<50176xf32, #tpu.memory_space<hbm>>
    tpu.wait_dma2 semaphore(%arg11 : memref<!tpu.dma_semaphore, #tpu.memory_space<semaphore_mem>>) src(%arg8 : memref<50176xf32, #tpu.memory_space<vmem>>) dst(%dma_wait3A_39 : memref<50176xf32, #tpu.memory_space<hbm>>)
    return
  }
}

</mosaic_0001>

<sc_bundles>
// kernel: kernel.3.cloned.1.call-start
scs
__scs_entry_jumppad:
0x0: {  	(pc) =	sbr.rel $0x88, $3  }
0x1: {  	(tag) =	ssettag $0x0;
	lr =	simm.s32 $0x1  }
0x2: {  	[smem:$0x3F9F] =	sst lr;
	_ =	strace $0xD0000000  }
0x3: {  	_ = 	snop  }
0x4: {  	_ = 	snop  }
0x5: {  	_ = 	snop  }
0x6: {  	_ = 	snop  }
0x7: {  	_ = 	snop  }
__scs_overlays_trampoline_lowered:
0x8: {  	[smem:$0x3FAE] =	sst s0  }
0x9: {  	[smem:$0x3FAF] =	sst s1  }
0xa: {  	[smem:$0x3FB0] =	sst s2  }
0xb: {  	[smem:$0x3FB1] =	sst s3  }
0xc: {  	[smem:$0x3FB2] =	sst s4  }
0xd: {  	[smem:$0x3FB3] =	sst s5  }
0xe: {  	[smem:$0x3FB4] =	sst s6  }
0xf: {  	[smem:$0x3FB5] =	sst s7  }
0x10: {  	[smem:$0x3FB6] =	sst s8  }
0x11: {  	[smem:$0x3FB7] =	sst s9;
	s0 =	simm.s32 @!p0 $0x0  }
0x12: {  	s1 =	sld [smem:$0x3F9D];
	s0 =	simm.s32 @p0 $0x1  }
0x13: {  	[smem:$0x3FB8] =	sst s0;
	s0 =	simm.s32 @!p1 $0x0  }
0x14: {  	s2 =	sld [smem:$0x3F9C];
	s0 =	simm.s32 @p1 $0x1  }
0x15: {  	[smem:$0x3FB9] =	sst s0;
	s0 =	simm.s32 @!p2 $0x0  }
0x16: {  	s3 =	sld [smem:$0x3FDB];
	s0 =	simm.s32 @p2 $0x1  }
0x17: {  	s4 =	simm.s32 $0x1BF5;
	[smem:$0x3FBB] =	sst s0  }
0x18: {  	s0 =	sld [smem:$0x3F9E];
	_ =	swait.ge [sflag:s4], $0x0  }
0x19: {  	s7 =	sld [smem:$0x3F9F]  }
0x1a: {  	s8 =	sadd.s32 $0xFFFFE003, lr  }
0x1b: {  	s9 =	sadd.s32 $0xFFFFFEF7, lr;
	s5 =	simm.s32 $0xFFFFFFFF;
	p2 =	slt.u32 s8, $0xFFFFF086  }
0x1c: {  	p1 =	slt.u32 s9, $0xF7A;
	s5 =	simm.s32 @!p2 $0x0  }
0x1d: {  	s5 =	simm.s32 @p1 $0x1;
	p0 =	seq.s32 s7, s2  }
0x1e: {  	s7 =	smul.u32 @!p0 $0xF7A, s2;
	p2 =	seq.s32 @!p0 s5, $0x0  }
0x1f: {  	s9 =	smul.u32 $0xF7A, s1;
	s8 =	simm.s32 @!p0 $0x1BF5;
	p2 =	por !p2, p0  }
0x20: {  	[sflag:s8] =	ssyncset.s32 @!p0 $0xFFFFF086;
	s6 =	sadd.s32 @!p0 s3, s7;
	s7 =	simm.s32 @!p0 $0x108  }
0x21: {  	s3 =	sadd.s32 s3, s9;
	s6 =	sadd.s32 @!p0 $0x88, s6;
	s7 =	simm.s32 @p2 $0x1082  }
0x22: {  	[simem:s7], [sflag:s8] =	dma.local @!p0 [hbm:s6], $0xF7A  }
0x23: {  	s9 =	sor.u32 $0xD0000000, s2;
	s6 =	simm.s32 $0x108;
	_ =	swait.ge @!p0 [sflag:s8], $0x0  }
0x24: {  	s3 =	sadd.s32 $0x88, s3;
	s6 =	simm.s32 @!p1 $0x1082;
	[sflag:s4] =	ssyncset.s32 $0xFFFFF086  }
0x25: {  	[simem:s6], [sflag:s4] =	dma.local [hbm:s3], $0xF7A  }
0x26: {  	[smem:$0x3F9F] =	sst s1;
	(tag) =	ssettag s2;
	_ =	strace s9  }
0x27: {  	s1 =	sld [smem:$0x3FAF]  }
0x28: {  	s2 =	sld [smem:$0x3FB0]  }
0x29: {  	s4 =	sld [smem:$0x3FB2]  }
0x2a: {  	p0 =	seq.s32 s5, $0x0;
	s5 =	sld [smem:$0x3FB3]  }
0x2b: {  	s6 =	sld [smem:$0x3FB4]  }
0x2c: {  	s7 =	sld [smem:$0x3FB5]  }
0x2d: {  	s3 =	simm.s32 $0x108;
	s8 =	sld [smem:$0x3FB6]  }
0x2e: {  	s3 =	simm.s32 @!p0 $0x1082;
	s9 =	sld [smem:$0x3FB7]  }
0x2f: {  	lr =	sadd.s32 s0, s3;
	s0 =	sld [smem:$0x3FAE]  }
0x30: {  	s3 =	sld [smem:$0x3FB1]  }
0x31: {  	[smem:$0x3FBA] =	sst s10  }
0x32: {  	s10 =	sld [smem:$0x3FB8];
	_ =	sdelay $0x3  }
0x33: {  	p0 =	seq.s32 s10, $0x1;
	s10 =	sld [smem:$0x3FBA];
	_ =	sdelay $0x3  }
0x34: {  	[smem:$0x3FBA] =	sst s10  }
0x35: {  	s10 =	sld [smem:$0x3FB9];
	_ =	sdelay $0x3  }
0x36: {  	p1 =	seq.s32 s10, $0x1;
	s10 =	sld [smem:$0x3FBA];
	_ =	sdelay $0x3  }
0x37: {  	[smem:$0x3FBA] =	sst s10  }
0x38: {  	s10 =	sld [smem:$0x3FBB]  }
0x39: {  	_ = 	snop;
	(pc) =	sbr.ind lr, $3  }
0x3a: {  	_ = 	snop  }
0x3b: {  	_ = 	snop  }
0x3c: {  	p2 =	seq.s32 s10, $0x1;
	s10 =	sld [smem:$0x3FBA]  }
0x3d: {  	_ =	shalt  }
0x3e: {  	_ =	shalt  }
0x3f: {  	_ =	shalt  }
0x40: {  	_ =	shalt  }
0x41: {  	_ =	shalt  }
0x42: {  	_ =	shalt  }
0x43: {  	_ =	shalt  }
0x44: {  	_ =	shalt  }
0x45: {  	_ =	shalt  }
0x46: {  	_ =	shalt  }
0x47: {  	_ =	shalt  }
0x48: {  	_ =	shalt  }
0x49: {  	_ =	shalt  }
0x4a: {  	_ =	shalt  }
0x4b: {  	_ =	shalt  }
0x4c: {  	_ =	shalt  }
0x4d: {  	_ =	shalt  }
0x4e: {  	_ =	shalt  }
0x4f: {  	_ =	shalt  }
0x50: {  	_ =	shalt  }
0x51: {  	_ =	shalt  }
0x52: {  	_ =	shalt  }
0x53: {  	_ =	shalt  }
0x54: {  	_ =	shalt  }
0x55: {  	_ =	shalt  }
0x56: {  	_ =	shalt  }
0x57: {  	_ =	shalt  }
0x58: {  	_ =	shalt  }
0x59: {  	_ =	shalt  }
0x5a: {  	_ =	shalt  }
0x5b: {  	_ =	shalt  }
0x5c: {  	_ =	shalt  }
0x5d: {  	_ =	shalt  }
0x5e: {  	_ =	shalt  }
0x5f: {  	_ =	shalt  }
0x60: {  	_ =	shalt  }
0x61: {  	_ =	shalt  }
0x62: {  	_ =	shalt  }
0x63: {  	_ =	shalt  }
0x64: {  	_ =	shalt  }
0x65: {  	_ =	shalt  }
0x66: {  	_ =	shalt  }
0x67: {  	_ =	shalt  }
0x68: {  	_ =	shalt  }
0x69: {  	_ =	shalt  }
0x6a: {  	_ =	shalt  }
0x6b: {  	_ =	shalt  }
0x6c: {  	_ =	shalt  }
0x6d: {  	_ =	shalt  }
0x6e: {  	_ =	shalt  }
0x6f: {  	_ =	shalt  }
0x70: {  	_ =	shalt  }
0x71: {  	_ =	shalt  }
0x72: {  	_ =	shalt  }
0x73: {  	_ =	shalt  }
0x74: {  	_ =	shalt  }
0x75: {  	_ =	shalt  }
0x76: {  	_ =	shalt  }
0x77: {  	_ =	shalt  }
0x78: {  	_ =	shalt  }
0x79: {  	_ =	shalt  }
0x7a: {  	_ =	shalt  }
0x7b: {  	_ =	shalt  }
0x7c: {  	_ =	shalt  }
0x7d: {  	_ =	shalt  }
0x7e: {  	_ =	shalt  }
0x7f: {  	_ =	shalt  }
0x80: {  	_ =	shalt  }
0x81: {  	_ =	shalt  }
0x82: {  	_ =	shalt  }
0x83: {  	_ =	shalt  }
0x84: {  	_ =	shalt  }
0x85: {  	_ =	shalt  }
0x86: {  	_ =	shalt  }
0x87: {  	_ =	shalt  }
.Lfunc_end0:
.L_simem_size_0:
called_computation.2_lowered:
.L_overlay_start_0:
0x88: {  	s2 =	sld [smem:$0x3FD9]  }
0x89: {  	s3 =	sld [smem:$0x3FFE];
	_ =	sdelay $0x1  }
0x8a: {  	s1 =	srdreg.scid  }
0x8b: {  	s0 =	sand.u32 $0x1, s1  }
0x8c: {  	s17 =	sshll.u32 s0, $0xA;
	s2 =	sadd.s32 s3, s2  }
0x8d: {  	s2 =	sadd.s32 s2, s17  }
0x8e: {  	[smem:$0x3FC6] =	sst s2  }
0x8f: {  	_ = 	snop  }
0x90: {  	s2 =	sld [smem:$0x3FD0];
	(tm) =	ssettm $0x1  }
0x91: {  	s18 =	sld [smem:$0x3FFB];
	_ =	sdelay $0x3  }
0x92: {  	_ =	strace s18  }
0x93: {  	s3 =	sld [smem:$0x3FFC];
	_ =	sdelay $0x3  }
0x94: {  	_ =	strace s3  }
0x95: {  	s3 =	sld [smem:$0x3FFD];
	_ =	sdelay $0x3  }
0x96: {  	_ =	strace s3  }
0x97: {  	_ =	strace $0x8FFFFFFF  }
0x98: {  	s19 =	sld [smem:$0x3FDB];
	_ =	sdelay $0x1  }
0x99: {  	s4 =	simm.s32 $_scs_section_size  }
0x9a: {  	s5 =	simm.s32 $_size__tile_overlayer_lowered;
	s6 =	simm.s32 $_tile_overlayer_lowered  }
0x9b: {  	s22 =	simm.s32 $0x1BFF;
	s21 =	sshll.u32 s6, $0x1;
	s3 =	sadd.s32 s4, s19  }
0x9c: {  	s7 =	simm.s32 $0x0;
	s20 =	sshll.u32 s5, $0x1;
	s5 =	sadd.s32 s21, s3  }
0x9d: {  	[timem:s7], [sflag:s22] =	dma.local [hbm:s5], s20  }
0x9e: {  	_ =	swait.ge [sflag:s22], s20  }
0x9f: {  	s4 =	ssub.s32 $0x0, s20;
	[sflag:s22] =	ssyncset.done $0x0  }
0xa0: {  	[sflag:s22] =	ssyncadd.s32 s4;
	_ =	sdelay $0x1  }
0xa1: {  	s23 =	simm.s32 $0x1B8B  }
0xa2: {  	_ =	swait.ge [sflag:s23], $0x1  }
0xa3: {  	[sflag:s23] =	ssyncset.done $0x0  }
0xa4: {  	s25 =	simm.s32 $0x1B8E;
	s24 =	sld [smem:$0x3FFE];
	[sflag:s23] =	ssyncadd.s32 $0xFFFFFFFF  }
0xa5: {  	s26 =	simm.s32 $execute0_lowered;
	[smem:$0x3FD2] =	sst s25  }
0xa6: {  	s5 =	sshll.u32 s26, $0x1;
	_ =	strace $0x80000049;
	[dreg:$0x1] =	wrdreg $0xFFFFFFFF  }
0xa7: {  	s28 =	simm.s32 $_size_execute0_lowered;
	s3 =	sadd.s32 s3, s5;
	[dreg:$0x0] =	wrdreg $0x0  }
0xa8: {  	s5 =	sshll.u32 s28, $0x1;
	[dreg:$0x2] =	wrdreg s3  }
0xa9: {  	[dreg:$0x3] =	wrdreg s5  }
0xaa: {  	[dreg:$0x4] =	wrdreg $0xC0  }
0xab: {  	_ =	task [dreg:s7], $0x5FFFF  }
0xac: {  	[dreg:$0x1] =	wrdreg $0xFFFFFFFF  }
0xad: {  	[dreg:$0x0] =	wrdreg $0x60  }
0xae: {  	[dreg:$0x2] =	wrdreg s24  }
0xaf: {  	[dreg:$0x3] =	wrdreg s2  }
0xb0: {  	[dreg:$0x4] =	wrdreg $0x9  }
0xb1: {  	_ =	task.clear_ibuf [dreg:s7], $0x5FFFF;
	_ =	strace $0x90000049  }
0xb2: {  	s29 =	simm.s32 $0x9;
	_ =	strace $0x8000004B  }
0xb3: {  	_ =	swait.ge [sflag:s29], $0x1  }
0xb4: {  	[sflag:s29] =	ssyncadd.s32 $0xFFFFFFFF  }
0xb5: {  	_ =	strace $0x9000004B  }
0xb6: {  	_ =	sfence  }
0xb7: {  	s30 =	sld [smem:$0x0];
	_ =	sdelay $0x2  }
0xb8: {  	s31 =	sshll.u32 s1, $0xD;
	s1 =	sshrl.u32 s1, $0x2  }
0xb9: {  	s3 =	sand.u32 $0x4000, s31;
	s1 =	sadd.s32 s1, s30  }
0xba: {  	s0 =	sor.u32 s3, s0;
	s1 =	sshll.u32 s1, $0x11  }
0xbb: {  	s0 =	sor.u32 s1, s0  }
0xbc: {  	s0 =	sadd.s32 $0x8F2B, s0  }
0xbd: {  	[sflag:s0] =	ssyncadd.remote.s32 $0x1  }
0xbe: {  	_ =	sfence.sel $0xFFFF  }
0xbf: {  	[dreg:$0x0] =	wrdreg $0xFFFFFFFF;
	(pc) =	sbr.abs _section_cstart, $3  }
0xc0: {  	[dreg:$0x1] =	wrdreg $0xFFFFFFFF  }
0xc1: {  	_ =	task.clear_ibuf [dreg:s7], $0x2FFFF;
	_ =	strace $0x9FFFFFFF  }
0xc2: {  	(tm) =	ssettm $0x7FFFFFFF  }
0xc3: {  	_ =	shalt  }
tec
execute0_lowered:
.L_overlay_start_1:
0x0: {  	(tag) =	ssettag $0x1  }
0x1: {  	s6 =	rddreg [dreg:$0x0]  }
0x2: {  	s2 =	rddreg [dreg:$0x1];
	s1 =	stileid.u32  }
0x3: {  	s0 =	rddreg [dreg:$0x2];
	s3 =	srdreg.scid;
	s12 =	simm.s32 $0x80  }
0x4: {  	s13 =	simm.s32 $0x400;
	s14 =	simm.s32 $0x3100;
	s15 =	simm.s32 $0x1  }
0x5: {  	s16 =	simm.s32 $0x6200;
	s17 =	simm.s32 $0x12600;
	s18 =	simm.s32 $0x2  }
0x6: {  	s19 =	simm.s32 $0x3;
	s20 =	simm.s32 $0x0;
	s4 =	sshll.u32 s1, $0x1  }
0x7: {  	s7 =	sand.u32 $0x1, s3;
	s10 =	sshrl.u32 s1, $0x2;
	s4 =	sand.u32 $0x6, s4  }
0x8: {  	s3 =	simm.s32 $0x0;
	s8 =	sor.u32 s7, s4;
	s4 =	smul.u32 $0x24C000, s10  }
0x9: {  	s5 =	sadd.s32 $0x2A0C00, s6;
	[smem:$0x7FF] =	sst s3;
	s9 =	smul.u32 $0x49800, s8  }
0xa: {  	s6 =	sadd.s32 $0xC00, s6;
	_ =	strace $0x8000004A;
	s7 =	ssub.s32 $0x2, s7  }
0xb: {  	s10 =	smul.u32 $0x930000, s10;
	s11 =	sshrl.u32 s7, $0x1;
	s9 =	sadd.s32 s4, s9  }
0xc: {  	s11 =	ssub.s32 s7, s11;
	s7 =	smul.u32 $0x18, s8;
	s9 =	sshrl.u32 s9, $0x3  }
0xd: {  	v0 =	vimm.f32 $0.0e+00;
	s11 =	smax.u32 s11, $0x1;
	s8 =	sadd.s32 s5, s9;
	s9 =	sadd.s32 s6, s9  }
.LBB2_1:
0xe: {  	[tilespmem:s3], [sflag:$0x1] =	stream.strided.gather [hbm4b:s8+s12], $0x3100, s13, s12, $0x38;
	[tilespmem:$0x1EA00] =	vst v63  }
0xf: {  	s21 =	simm.s32 $0x0  }
0x10: {  	[tilespmem:s14], [sflag:$0x1] =	stream.strided.gather [hbm4b:s9+s12], $0x3100, s13, s12, $0x38;
	[tilespmem:$0x1EA00] =	vst v63  }
.LBB2_2:
0x11: {  	p0 =	seq.s32 s21, $0x0  }
0x12: {  	s23 =	simm.s32 @!p0 $0x2  }
0x13: {  	_ =	swait.ge @!p0 [sflag:s23], $0xC400  }
0x14: {  	s22 =	sshll.u32 s21, $0x1;
	s24 =	simm.s32 $0x100;
	[sflag:s23] =	ssyncset.done @!p0 $0x0  }
0x15: {  	s22 =	sadd.s32 s7, s22;
	[sflag:s23] =	ssyncadd.s32 @!p0 $0xFFFF3C00;
	s23 =	simm.s32 $0x0  }
.LBB2_3:
0x16: {  	p1 =	sne.s32 s24, $0x30F00;
	[tilespmem:s23+$0x6230] =	vst v0;
	s25 =	smov.u32 s24;
	s24 =	sadd.s32 $0x100, s24  }
.Ltmp0:
0x17: {  	[tilespmem:s23+$0x6220] =	vst v0;
	(pc) =	sbr.rel @p1 .LBB2_3-.Ltmp0, $3  }
0x18: {  	[tilespmem:s23+$0x6200] =	vst v0  }
0x19: {  	[tilespmem:s23+$0x6210] =	vst v0;
	_ =	sdelay $0x1  }
0x1a: {  	s23 =	sshra.s32 s25, $0x2  }
0x1b: {  	[tilespmem:s23+$0x6230] =	vst v0  }
0x1c: {  	[tilespmem:s23+$0x6220] =	vst v0  }
0x1d: {  	[tilespmem:s23+$0x6200] =	vst v0  }
0x1e: {  	[tilespmem:s23+$0x6210] =	vst v0  }
0x1f: {  	_ =	swait.ge [sflag:s15], $0x3100  }
0x20: {  	[sflag:s15] =	ssyncset.done $0x0  }
0x21: {  	[sflag:s15] =	ssyncadd.s32 $0xFFFFCF00  }
0x22: {  	_ =	swait.ge [sflag:s15], $0x3100  }
0x23: {  	[sflag:s15] =	ssyncset.done $0x0  }
0x24: {  	s23 =	simm.s32 $0x0;
	[sflag:s15] =	ssyncadd.s32 $0xFFFFCF00  }
.LBB2_5:
0x25: {  	s24 =	sshra.s32 s23, $0x2  }
0x26: {  	v1 =	vld [tilespmem:s24+$0x3100];
	_ =	sdelay $0x4  }
0x27: {  	v1 =	vcvt.s32.f32 v1;
	_ =	sdelay $0x1  }
0x28: {  	v1 =	vmul.f32 $3.333333430e-01, v1;
	_ =	sdelay $0x1  }
0x29: {  	v1 =	vtrunc.f32 v1  }
0x2a: {  	v1 =	vcvt.f32.s32 v1  }
0x2b: {  	v2 =	vld [tilespmem:s24+$0x0];
	_ =	sdelay $0x4  }
0x2c: {  	[tilespmem:v1+s16+$0x0] =	vst.idx.add.f32.msk $0xffff, v2  }
0x2d: {  	v1 =	vld [tilespmem:s24+$0x3110];
	_ =	sdelay $0x4  }
0x2e: {  	v1 =	vcvt.s32.f32 v1;
	_ =	sdelay $0x1  }
0x2f: {  	v1 =	vmul.f32 $3.333333430e-01, v1;
	_ =	sdelay $0x1  }
0x30: {  	v1 =	vtrunc.f32 v1  }
0x31: {  	v1 =	vcvt.f32.s32 v1  }
0x32: {  	v2 =	vld [tilespmem:s24+$0x10];
	_ =	sdelay $0x4  }
0x33: {  	[tilespmem:v1+s16+$0x0] =	vst.idx.add.f32.msk $0xffff, v2  }
0x34: {  	v1 =	vld [tilespmem:s24+$0x3120];
	_ =	sdelay $0x4  }
0x35: {  	v1 =	vcvt.s32.f32 v1;
	_ =	sdelay $0x1  }
0x36: {  	v1 =	vmul.f32 $3.333333430e-01, v1;
	_ =	sdelay $0x1  }
0x37: {  	v1 =	vtrunc.f32 v1  }
0x38: {  	v1 =	vcvt.f32.s32 v1  }
0x39: {  	v2 =	vld [tilespmem:s24+$0x20];
	_ =	sdelay $0x4  }
0x3a: {  	[tilespmem:v1+s16+$0x0] =	vst.idx.add.f32.msk $0xffff, v2  }
0x3b: {  	v1 =	vld [tilespmem:s24+$0x3130];
	_ =	sdelay $0x4  }
0x3c: {  	v1 =	vcvt.s32.f32 v1;
	_ =	sdelay $0x1  }
0x3d: {  	v1 =	vmul.f32 $3.333333430e-01, v1;
	_ =	sdelay $0x1  }
0x3e: {  	v1 =	vtrunc.f32 v1  }
0x3f: {  	v1 =	vcvt.f32.s32 v1  }
0x40: {  	p1 =	sne.s32 s23, $0xC300;
	v2 =	vld [tilespmem:s24+$0x30]  }
.Ltmp1:
0x41: {  	_ = 	snop;
	(pc) =	sbr.rel @p1 .LBB2_5-.Ltmp1, $2  }
0x42: {  	_ =	sdelay $0x2  }
0x43: {  	s23 =	sadd.s32 $0x100, s23;
	[tilespmem:v1+s16+$0x0] =	vst.idx.add.f32.msk $0xffff, v2  }
0x44: {  	s24 =	sshrl.u32 s22, $0x3  }
0x45: {  	s23 =	sshll.u32 s21, $0x8;
	s25 =	smul.u32 $0x18800, s24  }
0x46: {  	s26 =	sand.u32 $0x300, s23  }
0x47: {  	s23 =	sor.u32 $0x80, s26;
	s25 =	sadd.s32 s4, s25  }
0x48: {  	s24 =	smul.u32 $0x62000, s24;
	s25 =	sor.u32 s23, s25  }
0x49: {  	s25 =	sshrl.u32 s25, $0x3  }
0x4a: {  	s24 =	sadd.s32 s10, s24;
	s28 =	sadd.s32 s5, s25  }
0x4b: {  	[tilespmem:s3], [sflag:$0x1] =	stream.strided.gather [hbm4b:s28+s12], $0x3100, s13, s12, $0x38;
	[tilespmem:$0x1EA00] =	vst v63  }
0x4c: {  	s31 =	sor.u32 s26, s24;
	s25 =	sadd.s32 s6, s25  }
0x4d: {  	[tilespmem:s14], [sflag:$0x1] =	stream.strided.gather [hbm4b:s25+s12], $0x3100, s13, s12, $0x38;
	[tilespmem:$0x1EA00] =	vst v63  }
0x4e: {  	s25 =	sshrl.u32 s31, $0x3  }
0x4f: {  	s25 =	sadd.s32 s2, s25  }
0x50: {  	[hbm4b:s25+s12] =	stream.strided.scatter [tilespmem:s16], [sflag:$0x2], $0xC400, s13, s12, $0x38;
	[tilespmem:$0x1EA00] =	vst v63  }
0x51: {  	s25 =	simm.s32 @!p0 $0x3  }
0x52: {  	_ =	swait.ge @!p0 [sflag:s25], $0xC400  }
0x53: {  	[sflag:s25] =	ssyncset.done @!p0 $0x0  }
0x54: {  	s26 =	simm.s32 $0x100;
	[sflag:s25] =	ssyncadd.s32 @!p0 $0xFFFF3C00;
	s25 =	simm.s32 $0x0  }
.LBB2_7:
0x55: {  	p0 =	sne.s32 s26, $0x30F00;
	[tilespmem:s25+$0x12630] =	vst v0;
	s28 =	smov.u32 s26;
	s26 =	sadd.s32 $0x100, s26  }
.Ltmp2:
0x56: {  	[tilespmem:s25+$0x12620] =	vst v0;
	(pc) =	sbr.rel @p0 .LBB2_7-.Ltmp2, $3  }
0x57: {  	[tilespmem:s25+$0x12600] =	vst v0  }
0x58: {  	[tilespmem:s25+$0x12610] =	vst v0;
	_ =	sdelay $0x1  }
0x59: {  	s25 =	sshra.s32 s28, $0x2  }
0x5a: {  	[tilespmem:s25+$0x12630] =	vst v0  }
0x5b: {  	[tilespmem:s25+$0x12620] =	vst v0  }
0x5c: {  	[tilespmem:s25+$0x12600] =	vst v0  }
0x5d: {  	[tilespmem:s25+$0x12610] =	vst v0  }
0x5e: {  	_ =	swait.ge [sflag:s15], $0x3100  }
0x5f: {  	[sflag:s15] =	ssyncset.done $0x0  }
0x60: {  	[sflag:s15] =	ssyncadd.s32 $0xFFFFCF00  }
0x61: {  	_ =	swait.ge [sflag:s15], $0x3100  }
0x62: {  	[sflag:s15] =	ssyncset.done $0x0  }
0x63: {  	s25 =	simm.s32 $0x0;
	[sflag:s15] =	ssyncadd.s32 $0xFFFFCF00  }
.LBB2_9:
0x64: {  	s26 =	sshra.s32 s25, $0x2  }
0x65: {  	v1 =	vld [tilespmem:s26+$0x3100];
	_ =	sdelay $0x4  }
0x66: {  	v1 =	vcvt.s32.f32 v1;
	_ =	sdelay $0x1  }
0x67: {  	v1 =	vmul.f32 $3.333333430e-01, v1;
	_ =	sdelay $0x1  }
0x68: {  	v1 =	vtrunc.f32 v1  }
0x69: {  	v1 =	vcvt.f32.s32 v1  }
0x6a: {  	v2 =	vld [tilespmem:s26+$0x0];
	_ =	sdelay $0x4  }
0x6b: {  	[tilespmem:v1+s17+$0x0] =	vst.idx.add.f32.msk $0xffff, v2  }
0x6c: {  	v1 =	vld [tilespmem:s26+$0x3110];
	_ =	sdelay $0x4  }
0x6d: {  	v1 =	vcvt.s32.f32 v1;
	_ =	sdelay $0x1  }
0x6e: {  	v1 =	vmul.f32 $3.333333430e-01, v1;
	_ =	sdelay $0x1  }
0x6f: {  	v1 =	vtrunc.f32 v1  }
0x70: {  	v1 =	vcvt.f32.s32 v1  }
0x71: {  	v2 =	vld [tilespmem:s26+$0x10];
	_ =	sdelay $0x4  }
0x72: {  	[tilespmem:v1+s17+$0x0] =	vst.idx.add.f32.msk $0xffff, v2  }
0x73: {  	v1 =	vld [tilespmem:s26+$0x3120];
	_ =	sdelay $0x4  }
0x74: {  	v1 =	vcvt.s32.f32 v1;
	_ =	sdelay $0x1  }
0x75: {  	v1 =	vmul.f32 $3.333333430e-01, v1;
	_ =	sdelay $0x1  }
0x76: {  	v1 =	vtrunc.f32 v1  }
0x77: {  	v1 =	vcvt.f32.s32 v1  }
0x78: {  	v2 =	vld [tilespmem:s26+$0x20];
	_ =	sdelay $0x4  }
0x79: {  	[tilespmem:v1+s17+$0x0] =	vst.idx.add.f32.msk $0xffff, v2  }
0x7a: {  	v1 =	vld [tilespmem:s26+$0x3130];
	_ =	sdelay $0x4  }
0x7b: {  	v1 =	vcvt.s32.f32 v1;
	_ =	sdelay $0x1  }
0x7c: {  	v1 =	vmul.f32 $3.333333430e-01, v1;
	_ =	sdelay $0x1  }
0x7d: {  	v1 =	vtrunc.f32 v1  }
0x7e: {  	v1 =	vcvt.f32.s32 v1  }
0x7f: {  	p0 =	sne.s32 s25, $0xC300;
	v2 =	vld [tilespmem:s26+$0x30]  }
.Ltmp3:
0x80: {  	_ = 	snop;
	(pc) =	sbr.rel @p0 .LBB2_9-.Ltmp3, $2  }
0x81: {  	_ =	sdelay $0x2  }
0x82: {  	s25 =	sadd.s32 $0x100, s25;
	[tilespmem:v1+s17+$0x0] =	vst.idx.add.f32.msk $0xffff, v2  }
0x83: {  	p0 =	seq.s32 s21, $0xB  }
0x84: {  	s22 =	sadd.s32 @!p0 $0x2, s22  }
0x85: {  	s25 =	sshrl.u32 @!p0 s22, $0x3  }
0x86: {  	s25 =	smul.u32 @!p0 $0x18800, s25  }
0x87: {  	s22 =	sshll.u32 @!p0 s22, $0x7  }
0x88: {  	s22 =	sand.u32 @!p0 $0x300, s22;
	s25 =	sadd.s32 @!p0 s4, s25  }
0x89: {  	s22 =	sor.u32 @!p0 s22, s25  }
0x8a: {  	s26 =	simm.s32 @!p0 $0x80;
	s22 =	sshrl.u32 @!p0 s22, $0x3  }
0x8b: {  	s28 =	simm.s32 @!p0 $0x400;
	s29 =	simm.s32 @!p0 $0x0;
	s25 =	sadd.s32 @!p0 s5, s22  }
0x8c: {  	[tilespmem:s29], [sflag:$0x1] =	stream.strided.gather @!p0 [hbm4b:s25+s26], $0x3100, s28, s26, $0x38;
	[tilespmem:$0x1EA00] =	vst v63  }
0x8d: {  	s21 =	sadd.s32 $0x1, s21;
	s22 =	sadd.s32 @!p0 s6, s22;
	s25 =	simm.s32 @!p0 $0x3100  }
0x8e: {  	[tilespmem:s25], [sflag:$0x1] =	stream.strided.gather @!p0 [hbm4b:s22+s26], $0x3100, s28, s26, $0x38;
	[tilespmem:$0x1EA00] =	vst v63  }
0x8f: {  	p0 =	sne.s32 s21, $0xC  }
.Ltmp4:
0x90: {  	_ = 	snop;
	(pc) =	sbr.rel @p0 .LBB2_2-.Ltmp4, $4  }
0x91: {  	s31 =	sor.u32 s23, s24  }
0x92: {  	s22 =	sshrl.u32 s31, $0x3  }
0x93: {  	s22 =	sadd.s32 s2, s22  }
0x94: {  	[hbm4b:s22+s12] =	stream.strided.scatter [tilespmem:s17], [sflag:$0x3], $0xC400, s13, s12, $0x38;
	[tilespmem:$0x1EA00] =	vst v63  }
0x95: {  	s20 =	sadd.s32 $0x1, s20  }
0x96: {  	_ =	swait.ge [sflag:s18], $0xC400;
	p0 =	sne.s32 s20, s11  }
.Ltmp5:
0x97: {  	[sflag:s18] =	ssyncset.done $0x0;
	(pc) =	sbr.rel @p0 .LBB2_1-.Ltmp5, $4  }
0x98: {  	[sflag:s18] =	ssyncadd.s32 $0xFFFF3C00  }
0x99: {  	_ =	swait.ge [sflag:s19], $0xC400  }
0x9a: {  	[sflag:s19] =	ssyncset.done $0x0  }
0x9b: {  	[sflag:s19] =	ssyncadd.s32 $0xFFFF3C00  }
0x9c: {  	_ =	sfence.sel $0x180000  }
0x9d: {  	[bflag:$0x0] =	sbarrier.arrive $0xFFFF  }
0x9e: {  	p0 =	sne.s32 s1, $0x0;
	_ =	strace $0x9000004A  }
0x9f: {  	s0 =	sadd.s32 @!p0 $0x100000, s0;
	[bflag:$0x2] =	sbarrier.arrive $0xFFFF  }
0xa0: {  	[sflag:s0] =	ssyncadd.tile.s32 @!p0 $0x1;
	_ =	shalt  }
.Lfunc_end2:
_tile_overlayer_lowered:
.L_overlay_start_2:
0xa1: {  	(tag) =	ssettag $0x2  }
0xa2: {  	s0 =	rddreg [dreg:$0x0];
	s2 =	stileid.u32  }
0xa3: {  	s1 =	rddreg [dreg:$0x1];
	p0 =	sne.s32 s2, $0x0  }
0xa4: {  	s3 =	rddreg [dreg:$0x2];
	[bflag:$0x3] =	sbarrier.arrive $0xFFFF;
	s2 =	simm.s32 @!p0 $0x1C04  }
0xa5: {  	[timem:s3], [sflag:s2] =	dma.local @!p0 [hbm:s0], s1  }
0xa6: {  	s0 =	simm.s32 @!p0 $0x4  }
0xa7: {  	_ =	swait.ge @!p0 [sflag:s0], s1  }
0xa8: {  	s1 =	ssub.s32 @!p0 $0x0, s1;
	[sflag:s0] =	ssyncset.done @!p0 $0x0  }
0xa9: {  	[sflag:s0] =	ssyncadd.s32 @!p0 s1  }
0xaa: {  	[bflag:$0x3] =	sbarrier.arrive $0xFFFF  }
0xab: {  	_ =	shalt  }

// kernel: sparse-core-data-format-call.1.cloned.1.call-start
scs
called_computation.1_lowered:
.L_overlay_start_0:
0x0: {  	s1 =	sld [smem:$0x3FD9]  }
0x1: {  	s2 =	sld [smem:$0x3FFE];
	_ =	sdelay $0x1  }
0x2: {  	s3 =	srdreg.scid  }
0x3: {  	s0 =	sand.u32 $0x1, s3  }
0x4: {  	s17 =	sshll.u32 s0, $0xA;
	s1 =	sadd.s32 s2, s1  }
0x5: {  	s1 =	sadd.s32 s1, s17  }
0x6: {  	[smem:$0x3FC6] =	sst s1  }
0x7: {  	_ = 	snop  }
0x8: {  	(tm) =	ssettm $0x1  }
0x9: {  	s18 =	sld [smem:$0x3FFB];
	_ =	sdelay $0x3  }
0xa: {  	_ =	strace s18  }
0xb: {  	s1 =	sld [smem:$0x3FFC];
	_ =	sdelay $0x3  }
0xc: {  	_ =	strace s1  }
0xd: {  	s1 =	sld [smem:$0x3FFD];
	_ =	sdelay $0x3  }
0xe: {  	_ =	strace s1  }
0xf: {  	_ =	strace $0x8FFFFFFF  }
0x10: {  	s19 =	sld [smem:$0x3FDB];
	_ =	sdelay $0x1  }
0x11: {  	s20 =	simm.s32 $_scs_section_size  }
0x12: {  	s4 =	simm.s32 $_size__tile_overlayer_lowered;
	s5 =	simm.s32 $_tile_overlayer_lowered  }
0x13: {  	s23 =	simm.s32 $0x1BFF;
	s22 =	sshll.u32 s5, $0x1;
	s1 =	sadd.s32 s20, s19  }
0x14: {  	s6 =	simm.s32 $0x0;
	s21 =	sshll.u32 s4, $0x1;
	s4 =	sadd.s32 s22, s1  }
0x15: {  	[timem:s6], [sflag:s23] =	dma.local [hbm:s4], s21  }
0x16: {  	_ =	swait.ge [sflag:s23], s21  }
0x17: {  	s2 =	ssub.s32 $0x0, s21;
	[sflag:s23] =	ssyncset.done $0x0  }
0x18: {  	[sflag:s23] =	ssyncadd.s32 s2;
	_ =	sdelay $0x1  }
0x19: {  	s24 =	simm.s32 $0x1B8B  }
0x1a: {  	_ =	swait.ge [sflag:s24], $0x1  }
0x1b: {  	[sflag:s24] =	ssyncset.done $0x0  }
0x1c: {  	s26 =	simm.s32 $0x1B8E;
	s25 =	sld [smem:$0x3FFE];
	[sflag:s24] =	ssyncadd.s32 $0xFFFFFFFF  }
0x1d: {  	s27 =	simm.s32 $execute0_lowered;
	[smem:$0x3FD2] =	sst s26  }
0x1e: {  	s4 =	sshll.u32 s27, $0x1;
	_ =	strace $0x80000046;
	[dreg:$0x1] =	wrdreg $0xFFFFFFFF  }
0x1f: {  	s28 =	simm.s32 $_size_execute0_lowered;
	s1 =	sadd.s32 s1, s4;
	[dreg:$0x0] =	wrdreg $0x0  }
0x20: {  	s4 =	sshll.u32 s28, $0x1;
	[dreg:$0x2] =	wrdreg s1  }
0x21: {  	[dreg:$0x3] =	wrdreg s4  }
0x22: {  	[dreg:$0x4] =	wrdreg $0xC0  }
0x23: {  	_ =	task [dreg:s6], $0x5FFFF  }
0x24: {  	[dreg:$0x1] =	wrdreg $0xFFFFFFFF  }
0x25: {  	[dreg:$0x0] =	wrdreg $0x60  }
0x26: {  	[dreg:$0x2] =	wrdreg s25  }
0x27: {  	[dreg:$0x3] =	wrdreg $0x9  }
0x28: {  	_ =	task.clear_ibuf [dreg:s6], $0x4FFFF;
	_ =	strace $0x90000046  }
0x29: {  	s29 =	simm.s32 $0x9;
	_ =	strace $0x80000048  }
0x2a: {  	_ =	swait.ge [sflag:s29], $0x1  }
0x2b: {  	[sflag:s29] =	ssyncadd.s32 $0xFFFFFFFF  }
0x2c: {  	_ =	strace $0x90000048  }
0x2d: {  	_ =	sfence  }
0x2e: {  	s30 =	sld [smem:$0x0];
	_ =	sdelay $0x2  }
0x2f: {  	s31 =	sshll.u32 s3, $0xD;
	s3 =	sshrl.u32 s3, $0x2  }
0x30: {  	s2 =	sand.u32 $0x4000, s31;
	s1 =	sadd.s32 s3, s30  }
0x31: {  	s0 =	sor.u32 s2, s0;
	s1 =	sshll.u32 s1, $0x11  }
0x32: {  	s0 =	sor.u32 s1, s0  }
0x33: {  	s0 =	sadd.s32 $0x8F2B, s0  }
0x34: {  	[sflag:s0] =	ssyncadd.remote.s32 $0x1  }
0x35: {  	_ =	sfence.sel $0xFFFF  }
0x36: {  	[dreg:$0x0] =	wrdreg $0xFFFFFFFF;
	(pc) =	sbr.abs _section_cstart, $3  }
0x37: {  	[dreg:$0x1] =	wrdreg $0xFFFFFFFF  }
0x38: {  	_ =	task.clear_ibuf [dreg:s6], $0x2FFFF;
	_ =	strace $0x9FFFFFFF  }
0x39: {  	(tm) =	ssettm $0x7FFFFFFF  }
tec
execute0_lowered:
.L_overlay_start_1:
0x0: {  	(tag) =	ssettag $0x1  }
0x1: {  	s1 =	srdreg.scid  }
0x2: {  	s0 =	stileid.u32;
	s6 =	rddreg [dreg:$0x0];
	s1 =	sshll.u32 s1, $0x4  }
0x3: {  	s5 =	simm.s32 $0x1;
	s8 =	simm.s32 $0x2;
	s1 =	sor.u32 s0, s1  }
0x4: {  	s16 =	simm.s32 $0x0;
	s9 =	simm.s32 $0x100;
	s1 =	sshrl.u32 s1, $0x1  }
0x5: {  	s10 =	simm.s32 $0x3800;
	s11 =	simm.s32 $0x0;
	s2 =	sand.u32 $0xE, s1  }
0x6: {  	s18 =	simm.s32 $0x0;
	s17 =	simm.s32 $0x0;
	s3 =	ssub.s32 $0x70, s2  }
0x7: {  	s12 =	simm.s32 $0x0;
	s15 =	simm.s32 $0x0;
	s4 =	sand.u32 $0xE, s3  }
0x8: {  	s25 =	simm.s32 $0x0;
	s1 =	rddreg [dreg:$0x1];
	p0 =	sne.s32 s4, $0x0  }
.Ltmp0:
0x9: {  	s7 =	sshrl.u32 s3, $0x4;
	s5 =	simm.s32 @!p0 $0x0;
	(pc) =	sbr.rel .LBB1_1-.Ltmp0, $4  }
0xa: {  	_ =	strace $0x80000047;
	s13 =	smov.u32 s2;
	s5 =	sadd.s32 s5, s7  }
0xb: {  	s3 =	sadd.s32 $0xC00, s6;
	s4 =	simm.s32 $0x1;
	s5 =	smul.u32 $0x3, s5  }
0xc: {  	s6 =	sadd.s32 $0x150C00, s6;
	[sflag:s4] =	ssyncpa.u1 $0x0;
	s7 =	sand.u32 $0x3, s0  }
0xd: {  	[sflag:s8] =	ssyncpa.u1 $0x0;
	s14 =	smov.u32 s7;
	s8 =	sadd.s32 $0x1, s5  }
.LBB1_7:
0xe: {  	s19 =	sadd.s32 $0x40, s12  }
0xf: {  	s16 =	sadd.s32 $0x10, s13;
	s20 =	smov.u32 s13;
	p1 =	sgt.s32 s19, $0xBF  }
0x10: {  	s20 =	smov.u32 @p1 s16  }
0x11: {  	s22 =	smov.u32 s14;
	s16 =	sadd.s32 $0x4, s14;
	p2 =	sgt.s32 s20, $0x6F  }
0x12: {  	s22 =	smov.u32 @p2 s16  }
0x13: {  	s19 =	simm.s32 @p1 $0x0;
	p1 =	sgt.s32 s22, $0x3  }
0x14: {  	p0 =	slt.u32 s15, $0x2;
	s22 =	smov.u32 @p1 s7;
	p1 =	sne.s32 s15, s8  }
.Ltmp1:
0x15: {  	s21 =	simm.s32 @!p0 $0x2;
	(pc) =	sbr.rel @!p1 .LBB1_8-.Ltmp1, $4  }
0x16: {  	s18 =	smov.u32 s13;
	s17 =	smov.u32 s14;
	_ =	swait.ge @!p0 [sflag:s21], $0x4000  }
0x17: {  	s11 =	sadd.s32 $0x4000, s11;
	[sflag:s21] =	ssyncset.done @!p0 $0x0;
	s20 =	smov.u32 @p2 s2  }
0x18: {  	s16 =	smov.u32 s12;
	[sflag:s21] =	ssyncadd.s32 @!p0 $0xFFFFC000;
	s12 =	smov.u32 s19  }
0x19: {  	s13 =	smov.u32 s20;
	s15 =	sadd.s32 $0x1, s15;
	s14 =	smov.u32 s22  }
.LBB1_1:
0x1a: {  	p0 =	sge.u32 s15, s5  }
0x1b: {  	s19 =	sand.u32 @!p0 $0x1FFFFFF, s12;
	s21 =	smul.u32 @!p0 $0x54000, s14  }
0x1c: {  	s20 =	smulhi.u32 @!p0 $0x1555556, s19  }
0x1d: {  	s23 =	smul.u32 @!p0 $0xC00, s13  }
0x1e: {  	s20 =	smul.u32 @!p0 $0xC0, s20  }
0x1f: {  	s31 =	sadd.s32 $0xFFFFFFFF, s15;
	s21 =	sadd.s32 @!p0 s3, s21  }
0x20: {  	s22 =	sxor.u32 @!p0 $0xFFFFFFFF, s15;
	s21 =	sadd.s32 @!p0 s23, s21;
	s19 =	ssub.s32 @!p0 s19, s20  }
0x21: {  	s20 =	sshll.u32 @!p0 s22, $0xE;
	s22 =	simm.s32 @!p0 $0x6000;
	s19 =	sshll.u32 @!p0 s19, $0x4  }
0x22: {  	s20 =	sand.u32 @!p0 $0x4000, s20;
	s19 =	sadd.s32 @!p0 s19, s21;
	s21 =	simm.s32 @!p0 $0x2000  }
0x23: {  	[tilespmem:s20], [sflag:$0x1] =	stream.strided.gather @!p0 [hbm4b:s19+s21], $0x4000, s22, s21, $0x38;
	[tilespmem:$0x10000] =	vst v63  }
0x24: {  	p0 =	sge.u32 s31, s5  }
.Ltmp2:
0x25: {  	_ = 	snop;
	(pc) =	sbr.rel @p0 .LBB1_7-.Ltmp2, $1  }
0x26: {  	_ =	sdelay $0x3  }
0x27: {  	s19 =	sshll.u32 s11, $0x2  }
0x28: {  	_ =	swait.ge [sflag:s4], $0x4000;
	s20 =	sshll.u32 s15, $0xE;
	s22 =	simm.s32 $0x0  }
0x29: {  	p1 =	por $0x1, $0x1;
	s19 =	sand.u32 $0x10000, s19;
	[sflag:s4] =	ssyncset.done $0x0  }
0x2a: {  	s20 =	sand.u32 $0x4000, s20;
	s21 =	sshrl.u32 s19, $0x2;
	[sflag:s4] =	ssyncadd.s32 $0xFFFFC000  }
0x2b: {  	s19 =	sor.u32 $0x8000, s20;
	s20 =	sadd.s32 $0x8040, s21;
	s21 =	sadd.s32 $0x40, s21  }
.LBB1_3:
0x2c: {  	s23 =	sshll.u32 s22, $0xD  }
0x2d: {  	s23 =	sand.u32 $0x3FFFE000, s23  }
0x2e: {  	s23 =	sadd.s32 s23, s21  }
0x2f: {  	v0 =	vmov s23;
	_ =	sdelay $0x4  }
0x30: {  	v6 =	vld.idx.msk [tilespmem:v0+s25+$0x30 ss:$0x1], $0xffff  }
0x31: {  	v7 =	vld.idx.msk [tilespmem:v0+s25+$0xFFFFFFC0 ss:$0x1], $0xffff  }
0x32: {  	v1 =	vld.idx.msk [tilespmem:v0+s25+$0xFFFFFFD0 ss:$0x1], $0xffff  }
0x33: {  	s31 =	sshll.u32 s22, $0x7;
	v2 =	vld.idx.msk [tilespmem:v0+s25+$0xFFFFFFE0 ss:$0x1], $0xffff  }
0x34: {  	s22 =	sand.u32 $0x3FFFFF80, s31;
	v3 =	vld.idx.msk [tilespmem:v0+s25+$0xFFFFFFF0 ss:$0x1], $0xffff  }
0x35: {  	s22 =	sadd.s32 s22, s20;
	v4 =	vld.idx.msk [tilespmem:v0+s25+$0x0 ss:$0x1], $0xffff  }
0x36: {  	v5 =	vld.idx.msk [tilespmem:v0+s25+$0x10 ss:$0x1], $0xffff;
	[tilespmem:s22+$0x30] =	vst v6  }
0x37: {  	p0 =	por p1, p1;
	s24 =	simm.s32 $0x400;
	s23 =	simm.s32 $0x80;
	[tilespmem:s22+$0xFFFFFFC0] =	vst v7;
	v6 =	vld.idx.msk [tilespmem:v0+s25+$0x20 ss:$0x1], $0xffff  }
.LBB1_4:
0x38: {  	p1 =	sne.s32 s24, $0x7E00;
	v7 =	vld.idx.msk [tilespmem:v0+s23+$0x30 ss:$0x1], $0xffff;
	[tilespmem:s22+$0xFFFFFFD0] =	vst v1  }
0x39: {  	v8 =	vld.idx.msk [tilespmem:v0+s23+$0xFFFFFFC0 ss:$0x1], $0xffff;
	[tilespmem:s22+$0xFFFFFFE0] =	vst v2  }
0x3a: {  	v1 =	vld.idx.msk [tilespmem:v0+s23+$0xFFFFFFD0 ss:$0x1], $0xffff;
	[tilespmem:s22+$0xFFFFFFF0] =	vst v3  }
.Ltmp3:
0x3b: {  	v2 =	vld.idx.msk [tilespmem:v0+s23+$0xFFFFFFE0 ss:$0x1], $0xffff;
	[tilespmem:s22+$0x0] =	vst v4;
	(pc) =	sbr.rel @p1 .LBB1_4-.Ltmp3, $4  }
0x3c: {  	v3 =	vld.idx.msk [tilespmem:v0+s23+$0xFFFFFFF0 ss:$0x1], $0xffff;
	[tilespmem:s22+$0x10] =	vst v5  }
0x3d: {  	v4 =	vld.idx.msk [tilespmem:v0+s23+$0x0 ss:$0x1], $0xffff;
	[tilespmem:s22+$0x20] =	vst v6;
	s22 =	sadd.s32 $0x100, s22  }
0x3e: {  	v5 =	vld.idx.msk [tilespmem:v0+s23+$0x10 ss:$0x1], $0xffff;
	[tilespmem:s22+$0x30] =	vst v7  }
0x3f: {  	[tilespmem:s22+$0xFFFFFFC0] =	vst v8;
	v6 =	vld.idx.msk [tilespmem:v0+s23+$0x20 ss:$0x1], $0xffff;
	s23 =	sshra.s32 s24, $0x2;
	s24 =	sadd.s32 $0x200, s24  }
0x40: {  	_ =	sdelay $0x2  }
0x41: {  	[tilespmem:s22+$0xFFFFFFD0] =	vst v1  }
0x42: {  	v56 =	vld.idx.msk [tilespmem:v0+s23+$0x30 ss:$0x1], $0xffff;
	[tilespmem:s22+$0xFFFFFFE0] =	vst v2  }
0x43: {  	v57 =	vld.idx.msk [tilespmem:v0+s23+$0xFFFFFFC0 ss:$0x1], $0xffff;
	[tilespmem:s22+$0xFFFFFFF0] =	vst v3  }
0x44: {  	v58 =	vld.idx.msk [tilespmem:v0+s23+$0xFFFFFFD0 ss:$0x1], $0xffff;
	[tilespmem:s22+$0x0] =	vst v4  }
0x45: {  	v59 =	vld.idx.msk [tilespmem:v0+s23+$0xFFFFFFE0 ss:$0x1], $0xffff;
	[tilespmem:s22+$0x10] =	vst v5  }
0x46: {  	v60 =	vld.idx.msk [tilespmem:v0+s23+$0xFFFFFFF0 ss:$0x1], $0xffff;
	s31 =	sadd.s32 $0x100, s22;
	[tilespmem:s22+$0x20] =	vst v6  }
0x47: {  	v61 =	vld.idx.msk [tilespmem:v0+s23+$0x0 ss:$0x1], $0xffff;
	[tilespmem:s31+$0x30] =	vst v56  }
0x48: {  	v62 =	vld.idx.msk [tilespmem:v0+s23+$0x10 ss:$0x1], $0xffff;
	[tilespmem:s31+$0xFFFFFFC0] =	vst v57  }
0x49: {  	v63 =	vld.idx.msk [tilespmem:v0+s23+$0x20 ss:$0x1], $0xffff;
	[tilespmem:s31+$0xFFFFFFD0] =	vst v58  }
.Ltmp4:
0x4a: {  	[tilespmem:s31+$0xFFFFFFE0] =	vst v59;
	(pc) =	sbr.rel @p0 .LBB1_3-.Ltmp4, $4  }
0x4b: {  	[tilespmem:s31+$0xFFFFFFF0] =	vst v60  }
0x4c: {  	[tilespmem:s31+$0x0] =	vst v61  }
0x4d: {  	[tilespmem:s31+$0x10] =	vst v62  }
0x4e: {  	p1 =	por $0x0, $0x0;
	s22 =	simm.s32 $0x1;
	[tilespmem:s31+$0x20] =	vst v63  }
0x4f: {  	s18 =	sand.u32 $0x1FFFFFF, s18;
	s17 =	smul.u32 $0x54000, s17  }
0x50: {  	s20 =	smulhi.u32 $0x2492493, s18  }
0x51: {  	s16 =	smul.u32 $0x700, s16  }
0x52: {  	s20 =	smul.u32 $0x70, s20  }
.Ltmp5:
0x53: {  	_ = 	snop;
	(pc) =	sbr.rel .LBB1_7-.Ltmp5, $4  }
0x54: {  	s17 =	sadd.s32 s6, s17;
	s18 =	ssub.s32 s18, s20  }
0x55: {  	s16 =	sadd.s32 s16, s17;
	s18 =	sshll.u32 s18, $0x4  }
0x56: {  	s16 =	sadd.s32 s18, s16  }
0x57: {  	[hbm4b:s16+s9] =	stream.strided.scatter [tilespmem:s19], [sflag:$0x2], $0x4000, s10, s9, $0x38;
	[tilespmem:$0x10000] =	vst v63  }
.LBB1_8:
0x58: {  	_ =	sfence.sel $0x180000  }
0x59: {  	s2 =	simm.s32 $0x1;
	[bflag:$0x0] =	sbarrier.arrive $0xFFFF  }
0x5a: {  	s31 =	simm.s32 $0x2;
	[sflag:s2] =	ssyncpa.u1 $0x1  }
0x5b: {  	[sflag:s31] =	ssyncpa.u1 $0x1  }
0x5c: {  	p0 =	sne.s32 s0, $0x0;
	_ =	strace $0x90000047  }
0x5d: {  	s0 =	sadd.s32 @!p0 $0x100000, s1;
	[bflag:$0x2] =	sbarrier.arrive $0xFFFF  }
0x5e: {  	[sflag:s0] =	ssyncadd.tile.s32 @!p0 $0x1;
	_ =	shalt  }
.Lfunc_end1:
_tile_overlayer_lowered:
.L_overlay_start_2:
0x5f: {  	(tag) =	ssettag $0x2  }
0x60: {  	s0 =	rddreg [dreg:$0x0];
	s2 =	stileid.u32  }
0x61: {  	s1 =	rddreg [dreg:$0x1];
	p0 =	sne.s32 s2, $0x0  }
0x62: {  	s3 =	rddreg [dreg:$0x2];
	[bflag:$0x3] =	sbarrier.arrive $0xFFFF;
	s2 =	simm.s32 @!p0 $0x1C01  }
0x63: {  	[timem:s3], [sflag:s2] =	dma.local @!p0 [hbm:s0], s1  }
0x64: {  	s0 =	simm.s32 @!p0 $0x1  }
0x65: {  	_ =	swait.ge @!p0 [sflag:s0], s1  }
0x66: {  	s1 =	ssub.s32 @!p0 $0x0, s1;
	[sflag:s0] =	ssyncset.done @!p0 $0x0  }
0x67: {  	[sflag:s0] =	ssyncadd.s32 @!p0 s1  }
0x68: {  	[bflag:$0x3] =	sbarrier.arrive $0xFFFF  }
0x69: {  	_ =	shalt  }

// kernel: sparse-core-data-format-call.cloned.1.call-start
scs
called_computation_lowered:
.L_overlay_start_0:
0x0: {  	s2 =	sld [smem:$0x3FD9]  }
0x1: {  	s3 =	sld [smem:$0x3FFE];
	_ =	sdelay $0x1  }
0x2: {  	s1 =	srdreg.scid  }
0x3: {  	s0 =	sand.u32 $0x1, s1  }
0x4: {  	s18 =	sshll.u32 s0, $0xA;
	s2 =	sadd.s32 s3, s2  }
0x5: {  	s2 =	sadd.s32 s2, s18  }
0x6: {  	[smem:$0x3FC6] =	sst s2  }
0x7: {  	_ = 	snop  }
0x8: {  	s2 =	sld [smem:$0x3FD0];
	(tm) =	ssettm $0x1  }
0x9: {  	s19 =	sld [smem:$0x3FFB];
	_ =	sdelay $0x3  }
0xa: {  	_ =	strace s19  }
0xb: {  	s3 =	sld [smem:$0x3FFC];
	_ =	sdelay $0x3  }
0xc: {  	_ =	strace s3  }
0xd: {  	s3 =	sld [smem:$0x3FFD];
	_ =	sdelay $0x3  }
0xe: {  	_ =	strace s3  }
0xf: {  	_ =	strace $0x8FFFFFFF  }
0x10: {  	s20 =	sld [smem:$0x3FDB];
	_ =	sdelay $0x1  }
0x11: {  	s4 =	simm.s32 $_scs_section_size  }
0x12: {  	s5 =	simm.s32 $_size__tile_overlayer_lowered;
	s6 =	simm.s32 $_tile_overlayer_lowered  }
0x13: {  	s23 =	simm.s32 $0x1BFF;
	s22 =	sshll.u32 s6, $0x1;
	s3 =	sadd.s32 s4, s20  }
0x14: {  	s7 =	simm.s32 $0x0;
	s21 =	sshll.u32 s5, $0x1;
	s5 =	sadd.s32 s22, s3  }
0x15: {  	[timem:s7], [sflag:s23] =	dma.local [hbm:s5], s21  }
0x16: {  	_ =	swait.ge [sflag:s23], s21  }
0x17: {  	s4 =	ssub.s32 $0x0, s21;
	[sflag:s23] =	ssyncset.done $0x0  }
0x18: {  	[sflag:s23] =	ssyncadd.s32 s4;
	_ =	sdelay $0x1  }
0x19: {  	s24 =	simm.s32 $0x1B8B  }
0x1a: {  	_ =	swait.ge [sflag:s24], $0x1  }
0x1b: {  	[sflag:s24] =	ssyncset.done $0x0  }
0x1c: {  	s26 =	simm.s32 $0x1B8E;
	s25 =	sld [smem:$0x3FFE];
	[sflag:s24] =	ssyncadd.s32 $0xFFFFFFFF  }
0x1d: {  	s27 =	simm.s32 $execute0_lowered;
	[smem:$0x3FD2] =	sst s26  }
0x1e: {  	s5 =	sshll.u32 s27, $0x1;
	_ =	strace $0x8000004C;
	[dreg:$0x1] =	wrdreg $0xFFFFFFFF  }
0x1f: {  	s28 =	simm.s32 $_size_execute0_lowered;
	s3 =	sadd.s32 s3, s5;
	[dreg:$0x0] =	wrdreg $0x0  }
0x20: {  	s5 =	sshll.u32 s28, $0x1;
	[dreg:$0x2] =	wrdreg s3  }
0x21: {  	[dreg:$0x3] =	wrdreg s5  }
0x22: {  	[dreg:$0x4] =	wrdreg $0xC0  }
0x23: {  	_ =	task [dreg:s7], $0x5FFFF  }
0x24: {  	[dreg:$0x1] =	wrdreg $0xFFFFFFFF  }
0x25: {  	[dreg:$0x0] =	wrdreg $0x60  }
0x26: {  	[dreg:$0x2] =	wrdreg s25  }
0x27: {  	[dreg:$0x3] =	wrdreg s2  }
0x28: {  	[dreg:$0x4] =	wrdreg $0x9  }
0x29: {  	_ =	task.clear_ibuf [dreg:s7], $0x5FFFF;
	_ =	strace $0x9000004C  }
0x2a: {  	s29 =	simm.s32 $0x9;
	_ =	strace $0x8000004E  }
0x2b: {  	_ =	swait.ge [sflag:s29], $0x1  }
0x2c: {  	[sflag:s29] =	ssyncadd.s32 $0xFFFFFFFF  }
0x2d: {  	_ =	strace $0x9000004E  }
0x2e: {  	_ =	sfence  }
0x2f: {  	s30 =	sld [smem:$0x0];
	_ =	sdelay $0x2  }
0x30: {  	s31 =	sshll.u32 s1, $0xD;
	s1 =	sshrl.u32 s1, $0x2  }
0x31: {  	s3 =	sand.u32 $0x4000, s31;
	s1 =	sadd.s32 s1, s30  }
0x32: {  	s0 =	sor.u32 s3, s0;
	s1 =	sshll.u32 s1, $0x11  }
0x33: {  	s0 =	sor.u32 s1, s0  }
0x34: {  	s0 =	sadd.s32 $0x8F2B, s0  }
0x35: {  	[sflag:s0] =	ssyncadd.remote.s32 $0x1  }
0x36: {  	_ =	sfence.sel $0xFFFF  }
0x37: {  	[dreg:$0x0] =	wrdreg $0xFFFFFFFF;
	(pc) =	sbr.abs _section_cstart, $3  }
0x38: {  	[dreg:$0x1] =	wrdreg $0xFFFFFFFF  }
0x39: {  	_ =	task.clear_ibuf [dreg:s7], $0x2FFFF;
	_ =	strace $0x9FFFFFFF  }
0x3a: {  	(tm) =	ssettm $0x7FFFFFFF  }
0x3b: {  	_ =	shalt  }
tec
execute0_lowered:
.L_overlay_start_1:
0x0: {  	(tag) =	ssettag $0x1  }
0x1: {  	s0 =	stileid.u32  }
0x2: {  	s1 =	srdreg.scid;
	s6 =	rddreg [dreg:$0x0]  }
0x3: {  	s3 =	rddreg [dreg:$0x1];
	s2 =	sshll.u32 s0, $0x1;
	s1 =	sshll.u32 s1, $0x5  }
0x4: {  	s5 =	simm.s32 $0x1;
	_ =	strace $0x8000004D;
	s1 =	sor.u32 s2, s1  }
0x5: {  	s8 =	simm.s32 $0x2;
	s16 =	simm.s32 $0x0;
	s2 =	sand.u32 $0x38, s1  }
0x6: {  	s9 =	simm.s32 $0x800;
	s10 =	simm.s32 $0xC000;
	s1 =	ssub.s32 $0xE0, s2  }
0x7: {  	s11 =	simm.s32 $0x0;
	s17 =	simm.s32 $0x0;
	s4 =	sand.u32 $0x38, s1  }
0x8: {  	s18 =	simm.s32 $0x0;
	s13 =	simm.s32 $0x0;
	p0 =	sne.s32 s4, $0x0  }
.Ltmp0:
0x9: {  	s1 =	sshrl.u32 s1, $0x6;
	s5 =	simm.s32 @!p0 $0x0;
	(pc) =	sbr.rel .LBB1_1-.Ltmp0, $4  }
0xa: {  	s15 =	simm.s32 $0x0;
	s24 =	simm.s32 $0x0;
	s1 =	sadd.s32 s5, s1  }
0xb: {  	s7 =	sand.u32 $0x3, s0;
	s4 =	simm.s32 $0x1;
	s5 =	smul.u32 $0x18, s1  }
0xc: {  	s6 =	sadd.s32 $0xC00, s6;
	s14 =	smov.u32 s7;
	[sflag:s4] =	ssyncpa.u1 $0x0  }
0xd: {  	s12 =	smov.u32 s2;
	[sflag:s8] =	ssyncpa.u1 $0x0;
	s8 =	sor.u32 $0x1, s5  }
.LBB1_7:
0xe: {  	s1 =	sadd.s32 $0x40, s12  }
0xf: {  	s16 =	sadd.s32 $0x8, s13;
	s19 =	smov.u32 s13;
	p1 =	sgt.s32 s1, $0xDF  }
0x10: {  	s19 =	smov.u32 @p1 s16  }
0x11: {  	s21 =	smov.u32 s14;
	s16 =	sadd.s32 $0x4, s14;
	p2 =	sgt.s32 s19, $0xBF  }
0x12: {  	s21 =	smov.u32 @p2 s16  }
0x13: {  	s1 =	smov.u32 @p1 s2;
	p1 =	sgt.s32 s21, $0x3  }
0x14: {  	p0 =	slt.u32 s15, $0x2;
	s21 =	smov.u32 @p1 s7;
	p1 =	sne.s32 s15, s8  }
.Ltmp1:
0x15: {  	s20 =	simm.s32 @!p0 $0x2;
	(pc) =	sbr.rel @!p1 .LBB1_8-.Ltmp1, $4  }
0x16: {  	s17 =	smov.u32 s13;
	s18 =	smov.u32 s14;
	_ =	swait.ge @!p0 [sflag:s20], $0x4000  }
0x17: {  	s11 =	sadd.s32 $0x4000, s11;
	[sflag:s20] =	ssyncset.done @!p0 $0x0;
	s19 =	simm.s32 @p2 $0x0  }
0x18: {  	s16 =	smov.u32 s12;
	[sflag:s20] =	ssyncadd.s32 @!p0 $0xFFFFC000;
	s12 =	smov.u32 s1  }
0x19: {  	s13 =	smov.u32 s19;
	s15 =	sadd.s32 $0x1, s15;
	s14 =	smov.u32 s21  }
.LBB1_1:
0x1a: {  	p0 =	sge.u32 s15, s5  }
0x1b: {  	s1 =	sshll.u32 @!p0 s12, $0x8;
	s19 =	sshll.u32 @!p0 s12, $0x7  }
0x1c: {  	s1 =	sand.u32 @!p0 $0xFFFFF800, s1;
	s19 =	sand.u32 @!p0 $0x300, s19  }
0x1d: {  	s1 =	sor.u32 @!p0 s19, s1  }
0x1e: {  	s1 =	sshrl.u32 @!p0 s1, $0x8  }
0x1f: {  	s19 =	smulhi.u32 @!p0 $0x124924A, s1  }
0x20: {  	s20 =	smul.u32 @!p0 $0x150000, s14  }
0x21: {  	s19 =	smul.u32 @!p0 $0xE0, s19  }
0x22: {  	s31 =	sadd.s32 $0xFFFFFFFF, s15;
	s21 =	sxor.u32 @!p0 $0xFFFFFFFF, s15;
	s22 =	smul.u32 @!p0 $0x1C00, s13  }
0x23: {  	s20 =	sadd.s32 @!p0 s6, s20;
	s1 =	ssub.s32 @!p0 s1, s19;
	s19 =	sshll.u32 @!p0 s12, $0x4  }
0x24: {  	s21 =	sshll.u32 @!p0 s21, $0xE;
	s20 =	sadd.s32 @!p0 s22, s20;
	s19 =	sand.u32 @!p0 $0x10, s19  }
0x25: {  	s21 =	sand.u32 @!p0 $0x4000, s21;
	s1 =	sshll.u32 @!p0 s1, $0x5;
	s19 =	sadd.s32 @!p0 s19, s20  }
0x26: {  	s20 =	simm.s32 @!p0 $0xE000;
	s1 =	sadd.s32 @!p0 s1, s19;
	s19 =	simm.s32 @!p0 $0x800  }
0x27: {  	[tilespmem:s21], [sflag:$0x1] =	stream.strided.gather @!p0 [hbm4b:s1+s19], $0x4000, s20, s19, $0x38;
	[tilespmem:$0x10000] =	vst v63  }
0x28: {  	p0 =	sge.u32 s31, s5  }
.Ltmp2:
0x29: {  	_ = 	snop;
	(pc) =	sbr.rel @p0 .LBB1_7-.Ltmp2, $1  }
0x2a: {  	_ =	sdelay $0x3  }
0x2b: {  	s1 =	sshll.u32 s11, $0x2;
	_ =	swait.ge [sflag:s4], $0x4000;
	s19 =	sshll.u32 s15, $0xE  }
0x2c: {  	p0 =	por $0x0, $0x0;
	s25 =	simm.s32 $0x0;
	s26 =	simm.s32 $0x0  }
0x2d: {  	s1 =	sand.u32 $0x10000, s1;
	[sflag:s4] =	ssyncset.done $0x0;
	s22 =	sand.u32 $0x4000, s19  }
0x2e: {  	s1 =	sshrl.u32 s1, $0x2;
	[sflag:s4] =	ssyncadd.s32 $0xFFFFC000;
	s19 =	sor.u32 $0x8000, s22  }
0x2f: {  	s20 =	sor.u32 $0x40, s1;
	s21 =	sor.u32 $0x8410, s1;
	s23 =	sadd.s32 $0x8400, s1  }
.LBB1_3:
0x30: {  	v1 =	vld [tilespmem:s20+$0xFFFFFFD0]  }
0x31: {  	v2 =	vld [tilespmem:s20+$0x430]  }
0x32: {  	s1 =	sshll.u32 s26, $0xB;
	v4 =	vld [tilespmem:s20+$0xFFFFFFE0]  }
0x33: {  	v7 =	vld [tilespmem:s20+$0xFFFFFFF0];
	v0 =	vmov s1  }
0x34: {  	v8 =	vld [tilespmem:s20+$0x0]  }
0x35: {  	v9 =	vld [tilespmem:s20+$0x10];
	s1 =	sand.u32 $0x300, s24  }
0x36: {  	s27 =	sand.u32 $0x80, s24;
	v10 =	vld [tilespmem:s20+$0x20];
	s1 =	sadd.s32 s1, s22  }
0x37: {  	v11 =	vld [tilespmem:s20+$0x30];
	s1 =	sadd.s32 s27, s1;
	s27 =	simm.s32 $0x1;
	[tilespmem:s21+$0x60] =	vst v2  }
0x38: {  	s27 =	simm.s32 @!p0 $0x0;
	[tilespmem:s21+$0xFFFFFC00] =	vst v1;
	v3 =	vld.idx.msk [tilespmem:v0+s1+$0x400 ss:$0x1], $0xffff;
	s1 =	sshll.u32 s25, $0x2  }
0x39: {  	v6 =	vld [tilespmem:s20+$0x3D0];
	s27 =	sshll.u32 s27, $0x9;
	[tilespmem:s21+$0xFFFFFC10] =	vst v4;
	s1 =	sand.u32 $0xFFFFFC00, s1  }
0x3a: {  	v5 =	vld [tilespmem:s20+$0x3E0];
	[tilespmem:s21+$0xFFFFFC20] =	vst v7;
	s1 =	sor.u32 s27, s1  }
0x3b: {  	[tilespmem:s21+$0xFFFFFC30] =	vst v8;
	v4 =	vld [tilespmem:s20+$0x400];
	s1 =	sshrl.u32 s1, $0x2  }
0x3c: {  	[tilespmem:s21+$0xFFFFFC40] =	vst v9;
	v1 =	vld [tilespmem:s20+$0x410];
	s27 =	sadd.s32 s1, s23  }
0x3d: {  	[tilespmem:s27+$0x0] =	vst v3;
	v3 =	vld [tilespmem:s20+$0x3F0]  }
0x3e: {  	s31 =	simm.s32 $0x80;
	s30 =	simm.s32 $0x100;
	[tilespmem:s21+$0xFFFFFC50] =	vst v10;
	v2 =	vld [tilespmem:s20+$0x420]  }
0x3f: {  	s28 =	sadd.s32 $0x80, s20;
	s29 =	smov.u32 s21;
	v7 =	vld [tilespmem:s20+$0xFFFFFFC0];
	[tilespmem:s21+$0xFFFFFC60] =	vst v11;
	s1 =	sand.u32 $0x300, s31  }
.LBB1_4:
0x40: {  	p1 =	sne.s32 s30, $0x380;
	v8 =	vld [tilespmem:s28+$0xFFFFFFD0];
	s31 =	sand.u32 $0x80, s31;
	s1 =	sadd.s32 s1, s22;
	[tilespmem:s29+$0x0] =	vst v6  }
0x41: {  	s1 =	sadd.s32 s31, s1;
	v6 =	vld [tilespmem:s28+$0x430];
	[tilespmem:s29+$0x10] =	vst v5;
	s31 =	smov.u32 s30  }
0x42: {  	v5 =	vld.idx.msk [tilespmem:v0+s1+$0x400 ss:$0x1], $0xffff;
	[tilespmem:s29+$0x20] =	vst v3  }
0x43: {  	v3 =	vld [tilespmem:s28+$0xFFFFFFE0];
	[tilespmem:s29+$0x30] =	vst v4  }
0x44: {  	v4 =	vld [tilespmem:s28+$0xFFFFFFF0];
	[tilespmem:s29+$0xFFFFFBF0] =	vst v7  }
0x45: {  	v7 =	vld [tilespmem:s28+$0x0];
	[tilespmem:s29+$0x40] =	vst v1  }
0x46: {  	v1 =	vld [tilespmem:s28+$0x10];
	[tilespmem:s29+$0x50] =	vst v2;
	s29 =	sadd.s32 $0x800, s29  }
0x47: {  	s27 =	sadd.s32 $0x800, s27;
	v2 =	vld [tilespmem:s28+$0x20];
	[tilespmem:s29+$0x60] =	vst v6  }
0x48: {  	v9 =	vld [tilespmem:s28+$0x30];
	[tilespmem:s27+$0x0] =	vst v5  }
0x49: {  	[tilespmem:s29+$0xFFFFFC00] =	vst v8;
	v6 =	vld [tilespmem:s28+$0x3D0]  }
0x4a: {  	[tilespmem:s29+$0xFFFFFC10] =	vst v3;
	v5 =	vld [tilespmem:s28+$0x3E0]  }
.Ltmp3:
0x4b: {  	[tilespmem:s29+$0xFFFFFC20] =	vst v4;
	v3 =	vld [tilespmem:s28+$0x3F0];
	(pc) =	sbr.rel @p1 .LBB1_4-.Ltmp3, $4  }
0x4c: {  	[tilespmem:s29+$0xFFFFFC30] =	vst v7;
	v4 =	vld [tilespmem:s28+$0x400]  }
0x4d: {  	[tilespmem:s29+$0xFFFFFC40] =	vst v1;
	v1 =	vld [tilespmem:s28+$0x410]  }
0x4e: {  	[tilespmem:s29+$0xFFFFFC50] =	vst v2;
	v2 =	vld [tilespmem:s28+$0x420]  }
0x4f: {  	s30 =	sadd.s32 $0x80, s30;
	s1 =	sand.u32 $0x300, s31;
	v7 =	vld [tilespmem:s28+$0xFFFFFFC0];
	[tilespmem:s29+$0xFFFFFC60] =	vst v9;
	s28 =	sadd.s32 $0x80, s28  }
0x50: {  	[tilespmem:s29+$0x0] =	vst v6  }
0x51: {  	[tilespmem:s29+$0x10] =	vst v5  }
0x52: {  	v49 =	vld [tilespmem:s28+$0x430];
	[tilespmem:s29+$0x20] =	vst v3  }
0x53: {  	v50 =	vld [tilespmem:s28+$0xFFFFFFD0];
	[tilespmem:s29+$0x30] =	vst v4  }
0x54: {  	v51 =	vld [tilespmem:s28+$0xFFFFFFE0];
	[tilespmem:s29+$0x40] =	vst v1  }
0x55: {  	v52 =	vld [tilespmem:s28+$0xFFFFFFF0];
	[tilespmem:s29+$0x50] =	vst v2  }
0x56: {  	s30 =	sand.u32 $0x80, s31;
	s31 =	sadd.s32 $0x800, s29;
	v53 =	vld [tilespmem:s28+$0x0];
	[tilespmem:s29+$0xFFFFFBF0] =	vst v7  }
0x57: {  	v54 =	vld [tilespmem:s28+$0x10];
	[tilespmem:s31+$0x60] =	vst v49  }
0x58: {  	v55 =	vld [tilespmem:s28+$0x20];
	[tilespmem:s31+$0xFFFFFC00] =	vst v50  }
0x59: {  	v56 =	vld [tilespmem:s28+$0x30];
	[tilespmem:s31+$0xFFFFFC10] =	vst v51  }
0x5a: {  	v57 =	vld [tilespmem:s28+$0x3D0];
	[tilespmem:s31+$0xFFFFFC20] =	vst v52  }
0x5b: {  	v58 =	vld [tilespmem:s28+$0x3E0];
	[tilespmem:s31+$0xFFFFFC30] =	vst v53  }
0x5c: {  	v59 =	vld [tilespmem:s28+$0x3F0];
	[tilespmem:s31+$0xFFFFFC40] =	vst v54  }
0x5d: {  	v60 =	vld [tilespmem:s28+$0x400];
	[tilespmem:s31+$0xFFFFFC50] =	vst v55  }
0x5e: {  	v61 =	vld [tilespmem:s28+$0xFFFFFFC0];
	[tilespmem:s31+$0xFFFFFC60] =	vst v56  }
0x5f: {  	s1 =	sadd.s32 s1, s22;
	v62 =	vld [tilespmem:s28+$0x410];
	[tilespmem:s31+$0x0] =	vst v57  }
0x60: {  	v63 =	vld [tilespmem:s28+$0x420];
	s26 =	sadd.s32 $0x1, s26;
	s1 =	sadd.s32 s30, s1;
	[tilespmem:s31+$0x10] =	vst v58  }
0x61: {  	p1 =	sne.s32 s26, $0x8;
	v0 =	vld.idx.msk [tilespmem:v0+s1+$0x400 ss:$0x1], $0xffff;
	[tilespmem:s31+$0x20] =	vst v59  }
.Ltmp4:
0x62: {  	[tilespmem:s31+$0x30] =	vst v60;
	(pc) =	sbr.rel @p1 .LBB1_3-.Ltmp4, $4  }
0x63: {  	[tilespmem:s31+$0xFFFFFBF0] =	vst v61  }
0x64: {  	[tilespmem:s31+$0x40] =	vst v62  }
0x65: {  	s27 =	sadd.s32 $0x800, s27;
	s20 =	sadd.s32 $0x800, s20;
	[tilespmem:s31+$0x50] =	vst v63  }
0x66: {  	s25 =	sadd.s32 $0x80, s25;
	p0 =	por !p0, !p0;
	s21 =	sadd.s32 $0x80, s21;
	[tilespmem:s27+$0x0] =	vst v0  }
0x67: {  	s1 =	sshll.u32 s17, $0x8;
	s20 =	sshll.u32 s17, $0x7  }
0x68: {  	s1 =	sand.u32 $0xFFFFF800, s1;
	s20 =	sand.u32 $0x300, s20  }
0x69: {  	s1 =	sor.u32 s20, s1  }
0x6a: {  	s18 =	smul.u32 $0x150000, s18;
	s1 =	sshrl.u32 s1, $0x8  }
0x6b: {  	s30 =	smulhi.u32 $0x1555556, s1  }
0x6c: {  	s16 =	smul.u32 $0x1800, s16  }
0x6d: {  	s20 =	smul.u32 $0xC0, s30  }
.Ltmp5:
0x6e: {  	s31 =	sshll.u32 s17, $0x4;
	s18 =	sadd.s32 s3, s18;
	(pc) =	sbr.rel .LBB1_7-.Ltmp5, $4  }
0x6f: {  	s17 =	sand.u32 $0x10, s31;
	s16 =	sadd.s32 s16, s18;
	s1 =	ssub.s32 s1, s20  }
0x70: {  	s16 =	sadd.s32 s17, s16;
	s1 =	sshll.u32 s1, $0x5  }
0x71: {  	s1 =	sadd.s32 s1, s16  }
0x72: {  	[hbm4b:s1+s9] =	stream.strided.scatter [tilespmem:s19], [sflag:$0x2], $0x4000, s10, s9, $0x38;
	[tilespmem:$0x10000] =	vst v63  }
.LBB1_8:
0x73: {  	_ =	sfence.sel $0x180000  }
0x74: {  	s1 =	simm.s32 $0x1;
	[bflag:$0x0] =	sbarrier.arrive $0xFFFF  }
0x75: {  	s31 =	simm.s32 $0x2;
	[sflag:s1] =	ssyncpa.u1 $0x1  }
0x76: {  	[sflag:s31] =	ssyncpa.u1 $0x1  }
0x77: {  	_ =	strace $0x9000004D  }
0x78: {  	[bflag:$0x2] =	sbarrier.arrive $0xFFFF  }
0x79: {  	p0 =	sne.s32 s0, $0x0;
	s0 =	rddreg [dreg:$0x2]  }
0x7a: {  	s0 =	sadd.s32 @!p0 $0x100000, s0  }
0x7b: {  	[sflag:s0] =	ssyncadd.tile.s32 @!p0 $0x1;
	_ =	shalt  }
.Lfunc_end1:
_tile_overlayer_lowered:
.L_overlay_start_2:
0x7c: {  	(tag) =	ssettag $0x2  }
0x7d: {  	s0 =	rddreg [dreg:$0x0];
	s2 =	stileid.u32  }
0x7e: {  	s1 =	rddreg [dreg:$0x1];
	p0 =	sne.s32 s2, $0x0  }
0x7f: {  	s3 =	rddreg [dreg:$0x2];
	[bflag:$0x3] =	sbarrier.arrive $0xFFFF;
	s2 =	simm.s32 @!p0 $0x1C01  }
0x80: {  	[timem:s3], [sflag:s2] =	dma.local @!p0 [hbm:s0], s1  }
0x81: {  	s0 =	simm.s32 @!p0 $0x1  }
0x82: {  	_ =	swait.ge @!p0 [sflag:s0], s1  }
0x83: {  	s1 =	ssub.s32 @!p0 $0x0, s1;
	[sflag:s0] =	ssyncset.done @!p0 $0x0  }
0x84: {  	[sflag:s0] =	ssyncadd.s32 @!p0 s1  }
0x85: {  	[bflag:$0x3] =	sbarrier.arrive $0xFFFF  }
0x86: {  	_ =	shalt  }

</sc_bundles>
